<compile_context>
chip_gen: v7x
topology: tpu7x:2x2x1
jax: 0.10.2.dev20260603
libtpu: 0.0.44.dev20260713+nightly
codegen_flags: <defaults>
</compile_context>

<pallas_src>
import functools

import jax
import jax.numpy as jnp
from jax import lax
from jax.experimental import pallas as pl
from jax.experimental.pallas import tpu as pltpu
from jax.experimental.pallas import tpu_sc as plsc

_L = 16
_NW = 32
_NP = 512
_CHUNK = (_NP * _NP) // _NW
_HNO = 8
_N1 = 501


def _sc_gather_plane(spd_flat, tbl_t):
    mesh = plsc.VectorSubcoreMesh(core_axis_name="c", subcore_axis_name="s")

    @functools.partial(
        pl.kernel,
        mesh=mesh,
        compiler_params=pltpu.CompilerParams(needs_layout_passes=False),
        out_type=jax.ShapeDtypeStruct((_HNO, _NP * _NP), jnp.float32),
        scratch_types=[
            pltpu.VMEM((_CHUNK,), jnp.int32),
            pltpu.VMEM((_HNO * 64,), jnp.float32),
            pltpu.VMEM((_HNO, _CHUNK), jnp.float32),
        ],
    )
    def run(spd_hbm, tbl_hbm, out_hbm, idx_v, tbl_v, acc_v):
        wid = lax.axis_index("s") * 2 + lax.axis_index("c")
        base = wid * _CHUNK
        pltpu.sync_copy(spd_hbm.at[pl.ds(base, _CHUNK)], idx_v)
        pltpu.sync_copy(tbl_hbm, tbl_v)

        @plsc.parallel_loop(0, _CHUNK // _L, unroll=4)
        def _(k):
            idx_vec = idx_v[pl.ds(k * _L, _L)]
            for h in range(_HNO):
                vals = plsc.load_gather(tbl_v, [idx_vec + (h * 64)])
                acc_v[h, pl.ds(k * _L, _L)] = vals
        for h in range(_HNO):
            pltpu.sync_copy(acc_v.at[h], out_hbm.at[h, pl.ds(base, _CHUNK)])

    return run(spd_flat, tbl_t)


def _tc_body(plane_ref, out_ref):
    out_ref[...] = plane_ref[:, : _N1, : _N1][None]


def _tc_broadcast(plane, B):
    return pl.pallas_call(
        _tc_body,
        grid=(B,),
        in_specs=[pl.BlockSpec((_HNO, _NP, _NP), lambda b: (0, 0, 0))],
        out_specs=pl.BlockSpec((1, _HNO, _N1, _N1), lambda b: (b, 0, 0, 0)),
        out_shape=jax.ShapeDtypeStruct((B, _HNO, _N1, _N1), jnp.float32),
    )(plane)


def kernel(x, spd, sp_enc):
    B = x.shape[0]
    N = x.shape[2]
    table = sp_enc.at[0].set(0.0)
    tbl_t = jnp.zeros((_HNO, 64), jnp.float32).at[:, : 51].set(table.T)
    spd_b = jnp.pad(spd.astype(jnp.int32), ((1, _NP - N - 1), (1, _NP - N - 1)))
    plane = _sc_gather_plane(spd_b.reshape(-1), tbl_t.reshape(-1))
    return _tc_broadcast(plane.reshape(_HNO, _NP, _NP), B)

# --- scband reference (transcript-rebuilt; emitter-appended) ---
"""Pipeline reference for scband-spatial-attension-bias-55637006352503 (READ-ONLY COPY).

The authoritative reference and input builder live on the scoring server;
editing this copy changes nothing except your own understanding.
"""

import jax, jax.numpy as jnp
import numpy as np


def setup_inputs(seed: int = 0) -> dict:
    key = jax.random.key(seed)
    k1, k2, k3 = jax.random.split(key, 3)
    x = jax.random.normal(k1, (16, 12, 500, 64), dtype=jnp.float32)
    # shortest-path-distance matrix of the sensor graph: values in [0, S], S=50
    spd = jax.random.randint(k2, (500, 500), 0, 51, dtype=jnp.int32).astype(jnp.int64)
    # nn.Embedding(S+1, hno, padding_idx=0): table [51, 8], row 0 zeroed
    sp_enc = (jax.random.normal(k3, (51, 8), dtype=jnp.float32) * 0.02)
    sp_enc = sp_enc.at[0].set(0.0)
    return {"x": x, "spd": spd, "sp_enc": sp_enc}


def reference(x, spd, sp_enc):
    B, T, N, D = x.shape
    hno = sp_enc.shape[1]
    # enforce padding_idx=0 semantics (row 0 is zero)
    table = sp_enc.at[0].set(0.0)
    attn_bias = jnp.zeros((B, N + 1, N + 1), dtype=jnp.float32)
    graph_attn_bias = jnp.repeat(attn_bias[:, None, :, :], hno, axis=1)  # [B, hno, N+1, N+1]
    sp_bias = jnp.repeat(spd[None, :, :], B, axis=0)                      # [B, N, N]
    sp_bias = jnp.take(table, sp_bias, axis=0)                            # [B, N, N, hno] (embedding gather)
    sp_bias = jnp.transpose(sp_bias, (0, 3, 1, 2))                        # [B, hno, N, N]
    graph_attn_bias = graph_attn_bias.at[:, :, 1:, 1:].add(sp_bias)
    graph_attn_bias = graph_attn_bias + attn_bias[:, None, :, :]
    return graph_attn_bias

if __name__ == "__main__":
    import jax
    _d = setup_inputs()
    print(jax.jit(kernel)(*tuple(_d.values())))

</pallas_src>

<mosaic_0001>
#map = affine_map<(d0, d1) -> (0)>
#map1 = affine_map<(d0, d1) -> (0, 0)>
module attributes {stable_mosaic.version = 14 : i64} {
  func.func @run(%arg0: i32, %arg1: i32, %arg2: memref<262144xi32, #tpu.memory_space<hbm>>, %arg3: memref<512xf32, #tpu.memory_space<hbm>>, %arg4: memref<8x262144xf32, #tpu.memory_space<hbm>>, %arg5: memref<8192xi32, #tpu.memory_space<vmem>>, %arg6: memref<512xf32, #tpu.memory_space<vmem>>, %arg7: memref<8x8192xf32, #tpu.memory_space<vmem>>) attributes {dimension_semantics = [#tpu.dimension_semantics<core_parallel>, #tpu.dimension_semantics<subcore_parallel>], iteration_bounds = array<i64: 2, 16>, scalar_prefetch = 0 : i64, scratch_operands = 3 : i64, tpu.core_type = #tpu.core_type<sc_vector_subcore>, window_params = [{transform_indices = #map}, {transform_indices = #map}, {transform_indices = #map1}]} {
    %mul3A = arith.constant 2 : i32
    %mul3A_0 = arith.muli %arg1, %mul3A : i32
    %add3A = arith.addi %mul3A_0, %arg0 : i32
    %mul3A_1 = arith.constant 8192 : i32
    %mul3A_2 = arith.muli %add3A, %mul3A_1 : i32
    "tpu.region"() ({
      %run_scoped3A_20 = tpu.sem_alloc : memref<!tpu.dma_semaphore, #tpu.memory_space<semaphore_mem>>
      %dma_start3A = tpu.memref_slice %arg2[%mul3A_2] : memref<262144xi32, #tpu.memory_space<hbm>> -> memref<8192xi32, #tpu.memory_space<hbm>>
      %dma_start3A_21 = tpu.memref_slice %arg2[%mul3A_2] : memref<262144xi32, #tpu.memory_space<hbm>> -> memref<8192xi32, #tpu.memory_space<hbm>>
      tpu.enqueue_dma source(%dma_start3A_21 : memref<8192xi32, #tpu.memory_space<hbm>>) target(%arg5 : memref<8192xi32, #tpu.memory_space<vmem>>) target_semaphore(%run_scoped3A_20 : memref<!tpu.dma_semaphore, #tpu.memory_space<semaphore_mem>>)
      %dma_wait3A = tpu.memref_slice %arg2[%mul3A_2] : memref<262144xi32, #tpu.memory_space<hbm>> -> memref<8192xi32, #tpu.memory_space<hbm>>
      %dma_wait3A_22 = tpu.memref_slice %arg2[%mul3A_2] : memref<262144xi32, #tpu.memory_space<hbm>> -> memref<8192xi32, #tpu.memory_space<hbm>>
      tpu.wait_dma2 semaphore(%run_scoped3A_20 : memref<!tpu.dma_semaphore, #tpu.memory_space<semaphore_mem>>) src(%dma_wait3A_22 : memref<8192xi32, #tpu.memory_space<hbm>>) dst(%arg5 : memref<8192xi32, #tpu.memory_space<vmem>>)
      tpu.yield
    }) : () -> ()
    "tpu.region"() ({
      %run_scoped3A_20 = tpu.sem_alloc : memref<!tpu.dma_semaphore, #tpu.memory_space<semaphore_mem>>
      tpu.enqueue_dma source(%arg3 : memref<512xf32, #tpu.memory_space<hbm>>) target(%arg6 : memref<512xf32, #tpu.memory_space<vmem>>) target_semaphore(%run_scoped3A_20 : memref<!tpu.dma_semaphore, #tpu.memory_space<semaphore_mem>>)
      tpu.wait_dma2 semaphore(%run_scoped3A_20 : memref<!tpu.dma_semaphore, #tpu.memory_space<semaphore_mem>>) src(%arg3 : memref<512xf32, #tpu.memory_space<hbm>>) dst(%arg6 : memref<512xf32, #tpu.memory_space<vmem>>)
      tpu.yield
    }) : () -> ()
    %parallel_loop3A = arith.constant 0 : i32
    %parallel_loop3A_3 = arith.constant 512 : i32
    %parallel_loop3A_4 = arith.constant 1 : i32
    scf.for %parallel_loop3A_20 = %parallel_loop3A to %parallel_loop3A_3 step %parallel_loop3A_4  : i32 {
      %parallel_loop3A_21 = arith.constant 16 : i32
      %parallel_loop3A_22 = arith.muli %parallel_loop3A_20, %parallel_loop3A_21 : i32
      %parallel_loop3A_23 = arith.index_cast %parallel_loop3A_22 : i32 to index
      %parallel_loop3A_24 = tpu.vector_load %arg5[%parallel_loop3A_23] {strides = array<i32>} : memref<8192xi32, #tpu.memory_space<vmem>>, vector<16xi32>,
      %parallel_loop3A_25 = arith.constant 0 : i32
      %parallel_loop3A_26 = vector.broadcast %parallel_loop3A_25 : i32 to vector<16xi32>
      %parallel_loop3A_27 = arith.addi %parallel_loop3A_24, %parallel_loop3A_26 : vector<16xi32>
      %parallel_loop3A_28 = tpu.vector_load_idx %arg6[%parallel_loop3A_27] : memref<512xf32, #tpu.memory_space<vmem>>[vector<16xi32>], vector<16xf32>,
      %parallel_loop3A_29 = arith.constant 16 : i32
      %parallel_loop3A_30 = arith.muli %parallel_loop3A_20, %parallel_loop3A_29 : i32
      %parallel_loop3A_31 = arith.constant 0 : i32
      %parallel_loop3A_32 = arith.index_cast %parallel_loop3A_31 : i32 to index
      %parallel_loop3A_33 = arith.index_cast %parallel_loop3A_30 : i32 to index
      %parallel_loop3A_34 = tpu.vector_load %arg7[%parallel_loop3A_32, %parallel_loop3A_33] {strides = array<i32>} : memref<8x8192xf32, #tpu.memory_space<vmem>>, vector<16xf32>,
      tpu.vector_store %arg7[%parallel_loop3A_32, %parallel_loop3A_33], %parallel_loop3A_28 {strides = array<i32>} : memref<8x8192xf32, #tpu.memory_space<vmem>>, vector<16xf32>,
      %parallel_loop3A_35 = arith.constant 64 : i32
      %parallel_loop3A_36 = vector.broadcast %parallel_loop3A_35 : i32 to vector<16xi32>
      %parallel_loop3A_37 = arith.addi %parallel_loop3A_24, %parallel_loop3A_36 : vector<16xi32>
      %parallel_loop3A_38 = tpu.vector_load_idx %arg6[%parallel_loop3A_37] : memref<512xf32, #tpu.memory_space<vmem>>[vector<16xi32>], vector<16xf32>,
      %parallel_loop3A_39 = arith.constant 16 : i32
      %parallel_loop3A_40 = arith.muli %parallel_loop3A_20, %parallel_loop3A_39 : i32
      %parallel_loop3A_41 = arith.constant 1 : i32
      %parallel_loop3A_42 = arith.index_cast %parallel_loop3A_41 : i32 to index
      %parallel_loop3A_43 = arith.index_cast %parallel_loop3A_40 : i32 to index
      %parallel_loop3A_44 = tpu.vector_load %arg7[%parallel_loop3A_42, %parallel_loop3A_43] {strides = array<i32>} : memref<8x8192xf32, #tpu.memory_space<vmem>>, vector<16xf32>,
      tpu.vector_store %arg7[%parallel_loop3A_42, %parallel_loop3A_43], %parallel_loop3A_38 {strides = array<i32>} : memref<8x8192xf32, #tpu.memory_space<vmem>>, vector<16xf32>,
      %parallel_loop3A_45 = arith.constant 128 : i32
      %parallel_loop3A_46 = vector.broadcast %parallel_loop3A_45 : i32 to vector<16xi32>
      %parallel_loop3A_47 = arith.addi %parallel_loop3A_24, %parallel_loop3A_46 : vector<16xi32>
      %parallel_loop3A_48 = tpu.vector_load_idx %arg6[%parallel_loop3A_47] : memref<512xf32, #tpu.memory_space<vmem>>[vector<16xi32>], vector<16xf32>,
      %parallel_loop3A_49 = arith.constant 16 : i32
      %parallel_loop3A_50 = arith.muli %parallel_loop3A_20, %parallel_loop3A_49 : i32
      %parallel_loop3A_51 = arith.constant 2 : i32
      %parallel_loop3A_52 = arith.index_cast %parallel_loop3A_51 : i32 to index
      %parallel_loop3A_53 = arith.index_cast %parallel_loop3A_50 : i32 to index
      %parallel_loop3A_54 = tpu.vector_load %arg7[%parallel_loop3A_52, %parallel_loop3A_53] {strides = array<i32>} : memref<8x8192xf32, #tpu.memory_space<vmem>>, vector<16xf32>,
      tpu.vector_store %arg7[%parallel_loop3A_52, %parallel_loop3A_53], %parallel_loop3A_48 {strides = array<i32>} : memref<8x8192xf32, #tpu.memory_space<vmem>>, vector<16xf32>,
      %parallel_loop3A_55 = arith.constant 192 : i32
      %parallel_loop3A_56 = vector.broadcast %parallel_loop3A_55 : i32 to vector<16xi32>
      %parallel_loop3A_57 = arith.addi %parallel_loop3A_24, %parallel_loop3A_56 : vector<16xi32>
      %parallel_loop3A_58 = tpu.vector_load_idx %arg6[%parallel_loop3A_57] : memref<512xf32, #tpu.memory_space<vmem>>[vector<16xi32>], vector<16xf32>,
      %parallel_loop3A_59 = arith.constant 16 : i32
      %parallel_loop3A_60 = arith.muli %parallel_loop3A_20, %parallel_loop3A_59 : i32
      %parallel_loop3A_61 = arith.constant 3 : i32
      %parallel_loop3A_62 = arith.index_cast %parallel_loop3A_61 : i32 to index
      %parallel_loop3A_63 = arith.index_cast %parallel_loop3A_60 : i32 to index
      %parallel_loop3A_64 = tpu.vector_load %arg7[%parallel_loop3A_62, %parallel_loop3A_63] {strides = array<i32>} : memref<8x8192xf32, #tpu.memory_space<vmem>>, vector<16xf32>,
      tpu.vector_store %arg7[%parallel_loop3A_62, %parallel_loop3A_63], %parallel_loop3A_58 {strides = array<i32>} : memref<8x8192xf32, #tpu.memory_space<vmem>>, vector<16xf32>,
      %parallel_loop3A_65 = arith.constant 256 : i32
      %parallel_loop3A_66 = vector.broadcast %parallel_loop3A_65 : i32 to vector<16xi32>
      %parallel_loop3A_67 = arith.addi %parallel_loop3A_24, %parallel_loop3A_66 : vector<16xi32>
      %parallel_loop3A_68 = tpu.vector_load_idx %arg6[%parallel_loop3A_67] : memref<512xf32, #tpu.memory_space<vmem>>[vector<16xi32>], vector<16xf32>,
      %parallel_loop3A_69 = arith.constant 16 : i32
      %parallel_loop3A_70 = arith.muli %parallel_loop3A_20, %parallel_loop3A_69 : i32
      %parallel_loop3A_71 = arith.constant 4 : i32
      %parallel_loop3A_72 = arith.index_cast %parallel_loop3A_71 : i32 to index
      %parallel_loop3A_73 = arith.index_cast %parallel_loop3A_70 : i32 to index
      %parallel_loop3A_74 = tpu.vector_load %arg7[%parallel_loop3A_72, %parallel_loop3A_73] {strides = array<i32>} : memref<8x8192xf32, #tpu.memory_space<vmem>>, vector<16xf32>,
      tpu.vector_store %arg7[%parallel_loop3A_72, %parallel_loop3A_73], %parallel_loop3A_68 {strides = array<i32>} : memref<8x8192xf32, #tpu.memory_space<vmem>>, vector<16xf32>,
      %parallel_loop3A_75 = arith.constant 320 : i32
      %parallel_loop3A_76 = vector.broadcast %parallel_loop3A_75 : i32 to vector<16xi32>
      %parallel_loop3A_77 = arith.addi %parallel_loop3A_24, %parallel_loop3A_76 : vector<16xi32>
      %parallel_loop3A_78 = tpu.vector_load_idx %arg6[%parallel_loop3A_77] : memref<512xf32, #tpu.memory_space<vmem>>[vector<16xi32>], vector<16xf32>,
      %parallel_loop3A_79 = arith.constant 16 : i32
      %parallel_loop3A_80 = arith.muli %parallel_loop3A_20, %parallel_loop3A_79 : i32
      %parallel_loop3A_81 = arith.constant 5 : i32
      %parallel_loop3A_82 = arith.index_cast %parallel_loop3A_81 : i32 to index
      %parallel_loop3A_83 = arith.index_cast %parallel_loop3A_80 : i32 to index
      %parallel_loop3A_84 = tpu.vector_load %arg7[%parallel_loop3A_82, %parallel_loop3A_83] {strides = array<i32>} : memref<8x8192xf32, #tpu.memory_space<vmem>>, vector<16xf32>,
      tpu.vector_store %arg7[%parallel_loop3A_82, %parallel_loop3A_83], %parallel_loop3A_78 {strides = array<i32>} : memref<8x8192xf32, #tpu.memory_space<vmem>>, vector<16xf32>,
      %parallel_loop3A_85 = arith.constant 384 : i32
      %parallel_loop3A_86 = vector.broadcast %parallel_loop3A_85 : i32 to vector<16xi32>
      %parallel_loop3A_87 = arith.addi %parallel_loop3A_24, %parallel_loop3A_86 : vector<16xi32>
      %parallel_loop3A_88 = tpu.vector_load_idx %arg6[%parallel_loop3A_87] : memref<512xf32, #tpu.memory_space<vmem>>[vector<16xi32>], vector<16xf32>,
      %parallel_loop3A_89 = arith.constant 16 : i32
      %parallel_loop3A_90 = arith.muli %parallel_loop3A_20, %parallel_loop3A_89 : i32
      %parallel_loop3A_91 = arith.constant 6 : i32
      %parallel_loop3A_92 = arith.index_cast %parallel_loop3A_91 : i32 to index
      %parallel_loop3A_93 = arith.index_cast %parallel_loop3A_90 : i32 to index
      %parallel_loop3A_94 = tpu.vector_load %arg7[%parallel_loop3A_92, %parallel_loop3A_93] {strides = array<i32>} : memref<8x8192xf32, #tpu.memory_space<vmem>>, vector<16xf32>,
      tpu.vector_store %arg7[%parallel_loop3A_92, %parallel_loop3A_93], %parallel_loop3A_88 {strides = array<i32>} : memref<8x8192xf32, #tpu.memory_space<vmem>>, vector<16xf32>,
      %parallel_loop3A_95 = arith.constant 448 : i32
      %parallel_loop3A_96 = vector.broadcast %parallel_loop3A_95 : i32 to vector<16xi32>
      %parallel_loop3A_97 = arith.addi %parallel_loop3A_24, %parallel_loop3A_96 : vector<16xi32>
      %parallel_loop3A_98 = tpu.vector_load_idx %arg6[%parallel_loop3A_97] : memref<512xf32, #tpu.memory_space<vmem>>[vector<16xi32>], vector<16xf32>,
      %parallel_loop3A_99 = arith.constant 16 : i32
      %parallel_loop3A_100 = arith.muli %parallel_loop3A_20, %parallel_loop3A_99 : i32
      %parallel_loop3A_101 = arith.constant 7 : i32
      %parallel_loop3A_102 = arith.index_cast %parallel_loop3A_101 : i32 to index
      %parallel_loop3A_103 = arith.index_cast %parallel_loop3A_100 : i32 to index
      %parallel_loop3A_104 = tpu.vector_load %arg7[%parallel_loop3A_102, %parallel_loop3A_103] {strides = array<i32>} : memref<8x8192xf32, #tpu.memory_space<vmem>>, vector<16xf32>,
      tpu.vector_store %arg7[%parallel_loop3A_102, %parallel_loop3A_103], %parallel_loop3A_98 {strides = array<i32>} : memref<8x8192xf32, #tpu.memory_space<vmem>>, vector<16xf32>,
    } {sc.loop_unroll_factor = 4 : i64, sc.parallel_access}
    %run_scoped3A = arith.constant 0 : i32
    %run_scoped3A_5 = arith.constant 0 : i32
    "tpu.region"() ({
      %run_scoped3A_20 = tpu.sem_alloc : memref<!tpu.dma_semaphore, #tpu.memory_space<semaphore_mem>>
      %dma_start3A = arith.constant 0 : i32
      %dma_start3A_21 = tpu.memref_slice %arg7[%run_scoped3A, %dma_start3A] : memref<8x8192xf32, #tpu.memory_space<vmem>> -> memref<1x8192xf32, #tpu.memory_space<vmem>>
      %dma_start3A_22 = tpu.memref_squeeze %dma_start3A_21 : memref<1x8192xf32, #tpu.memory_space<vmem>> -> memref<8192xf32, #tpu.memory_space<vmem>>
      %dma_start3A_23 = tpu.memref_slice %arg4[%run_scoped3A_5, %mul3A_2] : memref<8x262144xf32, #tpu.memory_space<hbm>> -> memref<1x8192xf32, #tpu.memory_space<hbm>>
      %dma_start3A_24 = tpu.memref_squeeze %dma_start3A_23 : memref<1x8192xf32, #tpu.memory_space<hbm>> -> memref<8192xf32, #tpu.memory_space<hbm>>
      %dma_start3A_25 = tpu.memref_slice %arg4[%run_scoped3A_5, %mul3A_2] : memref<8x262144xf32, #tpu.memory_space<hbm>> -> memref<1x8192xf32, #tpu.memory_space<hbm>>
      %dma_start3A_26 = tpu.memref_squeeze %dma_start3A_25 : memref<1x8192xf32, #tpu.memory_space<hbm>> -> memref<8192xf32, #tpu.memory_space<hbm>>
      %dma_start3A_27 = arith.constant 0 : i32
      %dma_start3A_28 = tpu.memref_slice %arg7[%run_scoped3A, %dma_start3A_27] : memref<8x8192xf32, #tpu.memory_space<vmem>> -> memref<1x8192xf32, #tpu.memory_space<vmem>>
      %dma_start3A_29 = tpu.memref_squeeze %dma_start3A_28 : memref<1x8192xf32, #tpu.memory_space<vmem>> -> memref<8192xf32, #tpu.memory_space<vmem>>
      tpu.enqueue_dma source(%dma_start3A_29 : memref<8192xf32, #tpu.memory_space<vmem>>) target(%dma_start3A_26 : memref<8192xf32, #tpu.memory_space<hbm>>) target_semaphore(%run_scoped3A_20 : memref<!tpu.dma_semaphore, #tpu.memory_space<semaphore_mem>>)
      %dma_wait3A = arith.constant 0 : i32
      %dma_wait3A_30 = tpu.memref_slice %arg7[%run_scoped3A, %dma_wait3A] : memref<8x8192xf32, #tpu.memory_space<vmem>> -> memref<1x8192xf32, #tpu.memory_space<vmem>>
      %dma_wait3A_31 = tpu.memref_squeeze %dma_wait3A_30 : memref<1x8192xf32, #tpu.memory_space<vmem>> -> memref<8192xf32, #tpu.memory_space<vmem>>
      %dma_wait3A_32 = tpu.memref_slice %arg4[%run_scoped3A_5, %mul3A_2] : memref<8x262144xf32, #tpu.memory_space<hbm>> -> memref<1x8192xf32, #tpu.memory_space<hbm>>
      %dma_wait3A_33 = tpu.memref_squeeze %dma_wait3A_32 : memref<1x8192xf32, #tpu.memory_space<hbm>> -> memref<8192xf32, #tpu.memory_space<hbm>>
      %dma_wait3A_34 = tpu.memref_slice %arg4[%run_scoped3A_5, %mul3A_2] : memref<8x262144xf32, #tpu.memory_space<hbm>> -> memref<1x8192xf32, #tpu.memory_space<hbm>>
      %dma_wait3A_35 = tpu.memref_squeeze %dma_wait3A_34 : memref<1x8192xf32, #tpu.memory_space<hbm>> -> memref<8192xf32, #tpu.memory_space<hbm>>
      %dma_wait3A_36 = arith.constant 0 : i32
      %dma_wait3A_37 = tpu.memref_slice %arg7[%run_scoped3A, %dma_wait3A_36] : memref<8x8192xf32, #tpu.memory_space<vmem>> -> memref<1x8192xf32, #tpu.memory_space<vmem>>
      %dma_wait3A_38 = tpu.memref_squeeze %dma_wait3A_37 : memref<1x8192xf32, #tpu.memory_space<vmem>> -> memref<8192xf32, #tpu.memory_space<vmem>>
      tpu.wait_dma2 semaphore(%run_scoped3A_20 : memref<!tpu.dma_semaphore, #tpu.memory_space<semaphore_mem>>) src(%dma_wait3A_38 : memref<8192xf32, #tpu.memory_space<vmem>>) dst(%dma_wait3A_35 : memref<8192xf32, #tpu.memory_space<hbm>>)
      tpu.yield
    }) : () -> ()
    %run_scoped3A_6 = arith.constant 1 : i32
    %run_scoped3A_7 = arith.constant 1 : i32
    "tpu.region"() ({
      %run_scoped3A_20 = tpu.sem_alloc : memref<!tpu.dma_semaphore, #tpu.memory_space<semaphore_mem>>
      %dma_start3A = arith.constant 0 : i32
      %dma_start3A_21 = tpu.memref_slice %arg7[%run_scoped3A_6, %dma_start3A] : memref<8x8192xf32, #tpu.memory_space<vmem>> -> memref<1x8192xf32, #tpu.memory_space<vmem>>
      %dma_start3A_22 = tpu.memref_squeeze %dma_start3A_21 : memref<1x8192xf32, #tpu.memory_space<vmem>> -> memref<8192xf32, #tpu.memory_space<vmem>>
      %dma_start3A_23 = tpu.memref_slice %arg4[%run_scoped3A_7, %mul3A_2] : memref<8x262144xf32, #tpu.memory_space<hbm>> -> memref<1x8192xf32, #tpu.memory_space<hbm>>
      %dma_start3A_24 = tpu.memref_squeeze %dma_start3A_23 : memref<1x8192xf32, #tpu.memory_space<hbm>> -> memref<8192xf32, #tpu.memory_space<hbm>>
      %dma_start3A_25 = tpu.memref_slice %arg4[%run_scoped3A_7, %mul3A_2] : memref<8x262144xf32, #tpu.memory_space<hbm>> -> memref<1x8192xf32, #tpu.memory_space<hbm>>
      %dma_start3A_26 = tpu.memref_squeeze %dma_start3A_25 : memref<1x8192xf32, #tpu.memory_space<hbm>> -> memref<8192xf32, #tpu.memory_space<hbm>>
      %dma_start3A_27 = arith.constant 0 : i32
      %dma_start3A_28 = tpu.memref_slice %arg7[%run_scoped3A_6, %dma_start3A_27] : memref<8x8192xf32, #tpu.memory_space<vmem>> -> memref<1x8192xf32, #tpu.memory_space<vmem>>
      %dma_start3A_29 = tpu.memref_squeeze %dma_start3A_28 : memref<1x8192xf32, #tpu.memory_space<vmem>> -> memref<8192xf32, #tpu.memory_space<vmem>>
      tpu.enqueue_dma source(%dma_start3A_29 : memref<8192xf32, #tpu.memory_space<vmem>>) target(%dma_start3A_26 : memref<8192xf32, #tpu.memory_space<hbm>>) target_semaphore(%run_scoped3A_20 : memref<!tpu.dma_semaphore, #tpu.memory_space<semaphore_mem>>)
      %dma_wait3A = arith.constant 0 : i32
      %dma_wait3A_30 = tpu.memref_slice %arg7[%run_scoped3A_6, %dma_wait3A] : memref<8x8192xf32, #tpu.memory_space<vmem>> -> memref<1x8192xf32, #tpu.memory_space<vmem>>
      %dma_wait3A_31 = tpu.memref_squeeze %dma_wait3A_30 : memref<1x8192xf32, #tpu.memory_space<vmem>> -> memref<8192xf32, #tpu.memory_space<vmem>>
      %dma_wait3A_32 = tpu.memref_slice %arg4[%run_scoped3A_7, %mul3A_2] : memref<8x262144xf32, #tpu.memory_space<hbm>> -> memref<1x8192xf32, #tpu.memory_space<hbm>>
      %dma_wait3A_33 = tpu.memref_squeeze %dma_wait3A_32 : memref<1x8192xf32, #tpu.memory_space<hbm>> -> memref<8192xf32, #tpu.memory_space<hbm>>
      %dma_wait3A_34 = tpu.memref_slice %arg4[%run_scoped3A_7, %mul3A_2] : memref<8x262144xf32, #tpu.memory_space<hbm>> -> memref<1x8192xf32, #tpu.memory_space<hbm>>
      %dma_wait3A_35 = tpu.memref_squeeze %dma_wait3A_34 : memref<1x8192xf32, #tpu.memory_space<hbm>> -> memref<8192xf32, #tpu.memory_space<hbm>>
      %dma_wait3A_36 = arith.constant 0 : i32
      %dma_wait3A_37 = tpu.memref_slice %arg7[%run_scoped3A_6, %dma_wait3A_36] : memref<8x8192xf32, #tpu.memory_space<vmem>> -> memref<1x8192xf32, #tpu.memory_space<vmem>>
      %dma_wait3A_38 = tpu.memref_squeeze %dma_wait3A_37 : memref<1x8192xf32, #tpu.memory_space<vmem>> -> memref<8192xf32, #tpu.memory_space<vmem>>
      tpu.wait_dma2 semaphore(%run_scoped3A_20 : memref<!tpu.dma_semaphore, #tpu.memory_space<semaphore_mem>>) src(%dma_wait3A_38 : memref<8192xf32, #tpu.memory_space<vmem>>) dst(%dma_wait3A_35 : memref<8192xf32, #tpu.memory_space<hbm>>)
      tpu.yield
    }) : () -> ()
    %run_scoped3A_8 = arith.constant 2 : i32
    %run_scoped3A_9 = arith.constant 2 : i32
    "tpu.region"() ({
      %run_scoped3A_20 = tpu.sem_alloc : memref<!tpu.dma_semaphore, #tpu.memory_space<semaphore_mem>>
      %dma_start3A = arith.constant 0 : i32
      %dma_start3A_21 = tpu.memref_slice %arg7[%run_scoped3A_8, %dma_start3A] : memref<8x8192xf32, #tpu.memory_space<vmem>> -> memref<1x8192xf32, #tpu.memory_space<vmem>>
      %dma_start3A_22 = tpu.memref_squeeze %dma_start3A_21 : memref<1x8192xf32, #tpu.memory_space<vmem>> -> memref<8192xf32, #tpu.memory_space<vmem>>
      %dma_start3A_23 = tpu.memref_slice %arg4[%run_scoped3A_9, %mul3A_2] : memref<8x262144xf32, #tpu.memory_space<hbm>> -> memref<1x8192xf32, #tpu.memory_space<hbm>>
      %dma_start3A_24 = tpu.memref_squeeze %dma_start3A_23 : memref<1x8192xf32, #tpu.memory_space<hbm>> -> memref<8192xf32, #tpu.memory_space<hbm>>
      %dma_start3A_25 = tpu.memref_slice %arg4[%run_scoped3A_9, %mul3A_2] : memref<8x262144xf32, #tpu.memory_space<hbm>> -> memref<1x8192xf32, #tpu.memory_space<hbm>>
      %dma_start3A_26 = tpu.memref_squeeze %dma_start3A_25 : memref<1x8192xf32, #tpu.memory_space<hbm>> -> memref<8192xf32, #tpu.memory_space<hbm>>
      %dma_start3A_27 = arith.constant 0 : i32
      %dma_start3A_28 = tpu.memref_slice %arg7[%run_scoped3A_8, %dma_start3A_27] : memref<8x8192xf32, #tpu.memory_space<vmem>> -> memref<1x8192xf32, #tpu.memory_space<vmem>>
      %dma_start3A_29 = tpu.memref_squeeze %dma_start3A_28 : memref<1x8192xf32, #tpu.memory_space<vmem>> -> memref<8192xf32, #tpu.memory_space<vmem>>
      tpu.enqueue_dma source(%dma_start3A_29 : memref<8192xf32, #tpu.memory_space<vmem>>) target(%dma_start3A_26 : memref<8192xf32, #tpu.memory_space<hbm>>) target_semaphore(%run_scoped3A_20 : memref<!tpu.dma_semaphore, #tpu.memory_space<semaphore_mem>>)
      %dma_wait3A = arith.constant 0 : i32
      %dma_wait3A_30 = tpu.memref_slice %arg7[%run_scoped3A_8, %dma_wait3A] : memref<8x8192xf32, #tpu.memory_space<vmem>> -> memref<1x8192xf32, #tpu.memory_space<vmem>>
      %dma_wait3A_31 = tpu.memref_squeeze %dma_wait3A_30 : memref<1x8192xf32, #tpu.memory_space<vmem>> -> memref<8192xf32, #tpu.memory_space<vmem>>
      %dma_wait3A_32 = tpu.memref_slice %arg4[%run_scoped3A_9, %mul3A_2] : memref<8x262144xf32, #tpu.memory_space<hbm>> -> memref<1x8192xf32, #tpu.memory_space<hbm>>
      %dma_wait3A_33 = tpu.memref_squeeze %dma_wait3A_32 : memref<1x8192xf32, #tpu.memory_space<hbm>> -> memref<8192xf32, #tpu.memory_space<hbm>>
      %dma_wait3A_34 = tpu.memref_slice %arg4[%run_scoped3A_9, %mul3A_2] : memref<8x262144xf32, #tpu.memory_space<hbm>> -> memref<1x8192xf32, #tpu.memory_space<hbm>>
      %dma_wait3A_35 = tpu.memref_squeeze %dma_wait3A_34 : memref<1x8192xf32, #tpu.memory_space<hbm>> -> memref<8192xf32, #tpu.memory_space<hbm>>
      %dma_wait3A_36 = arith.constant 0 : i32
      %dma_wait3A_37 = tpu.memref_slice %arg7[%run_scoped3A_8, %dma_wait3A_36] : memref<8x8192xf32, #tpu.memory_space<vmem>> -> memref<1x8192xf32, #tpu.memory_space<vmem>>
      %dma_wait3A_38 = tpu.memref_squeeze %dma_wait3A_37 : memref<1x8192xf32, #tpu.memory_space<vmem>> -> memref<8192xf32, #tpu.memory_space<vmem>>
      tpu.wait_dma2 semaphore(%run_scoped3A_20 : memref<!tpu.dma_semaphore, #tpu.memory_space<semaphore_mem>>) src(%dma_wait3A_38 : memref<8192xf32, #tpu.memory_space<vmem>>) dst(%dma_wait3A_35 : memref<8192xf32, #tpu.memory_space<hbm>>)
      tpu.yield
    }) : () -> ()
    %run_scoped3A_10 = arith.constant 3 : i32
    %run_scoped3A_11 = arith.constant 3 : i32
    "tpu.region"() ({
      %run_scoped3A_20 = tpu.sem_alloc : memref<!tpu.dma_semaphore, #tpu.memory_space<semaphore_mem>>
      %dma_start3A = arith.constant 0 : i32
      %dma_start3A_21 = tpu.memref_slice %arg7[%run_scoped3A_10, %dma_start3A] : memref<8x8192xf32, #tpu.memory_space<vmem>> -> memref<1x8192xf32, #tpu.memory_space<vmem>>
      %dma_start3A_22 = tpu.memref_squeeze %dma_start3A_21 : memref<1x8192xf32, #tpu.memory_space<vmem>> -> memref<8192xf32, #tpu.memory_space<vmem>>
      %dma_start3A_23 = tpu.memref_slice %arg4[%run_scoped3A_11, %mul3A_2] : memref<8x262144xf32, #tpu.memory_space<hbm>> -> memref<1x8192xf32, #tpu.memory_space<hbm>>
      %dma_start3A_24 = tpu.memref_squeeze %dma_start3A_23 : memref<1x8192xf32, #tpu.memory_space<hbm>> -> memref<8192xf32, #tpu.memory_space<hbm>>
      %dma_start3A_25 = tpu.memref_slice %arg4[%run_scoped3A_11, %mul3A_2] : memref<8x262144xf32, #tpu.memory_space<hbm>> -> memref<1x8192xf32, #tpu.memory_space<hbm>>
      %dma_start3A_26 = tpu.memref_squeeze %dma_start3A_25 : memref<1x8192xf32, #tpu.memory_space<hbm>> -> memref<8192xf32, #tpu.memory_space<hbm>>
      %dma_start3A_27 = arith.constant 0 : i32
      %dma_start3A_28 = tpu.memref_slice %arg7[%run_scoped3A_10, %dma_start3A_27] : memref<8x8192xf32, #tpu.memory_space<vmem>> -> memref<1x8192xf32, #tpu.memory_space<vmem>>
      %dma_start3A_29 = tpu.memref_squeeze %dma_start3A_28 : memref<1x8192xf32, #tpu.memory_space<vmem>> -> memref<8192xf32, #tpu.memory_space<vmem>>
      tpu.enqueue_dma source(%dma_start3A_29 : memref<8192xf32, #tpu.memory_space<vmem>>) target(%dma_start3A_26 : memref<8192xf32, #tpu.memory_space<hbm>>) target_semaphore(%run_scoped3A_20 : memref<!tpu.dma_semaphore, #tpu.memory_space<semaphore_mem>>)
      %dma_wait3A = arith.constant 0 : i32
      %dma_wait3A_30 = tpu.memref_slice %arg7[%run_scoped3A_10, %dma_wait3A] : memref<8x8192xf32, #tpu.memory_space<vmem>> -> memref<1x8192xf32, #tpu.memory_space<vmem>>
      %dma_wait3A_31 = tpu.memref_squeeze %dma_wait3A_30 : memref<1x8192xf32, #tpu.memory_space<vmem>> -> memref<8192xf32, #tpu.memory_space<vmem>>
      %dma_wait3A_32 = tpu.memref_slice %arg4[%run_scoped3A_11, %mul3A_2] : memref<8x262144xf32, #tpu.memory_space<hbm>> -> memref<1x8192xf32, #tpu.memory_space<hbm>>
      %dma_wait3A_33 = tpu.memref_squeeze %dma_wait3A_32 : memref<1x8192xf32, #tpu.memory_space<hbm>> -> memref<8192xf32, #tpu.memory_space<hbm>>
      %dma_wait3A_34 = tpu.memref_slice %arg4[%run_scoped3A_11, %mul3A_2] : memref<8x262144xf32, #tpu.memory_space<hbm>> -> memref<1x8192xf32, #tpu.memory_space<hbm>>
      %dma_wait3A_35 = tpu.memref_squeeze %dma_wait3A_34 : memref<1x8192xf32, #tpu.memory_space<hbm>> -> memref<8192xf32, #tpu.memory_space<hbm>>
      %dma_wait3A_36 = arith.constant 0 : i32
      %dma_wait3A_37 = tpu.memref_slice %arg7[%run_scoped3A_10, %dma_wait3A_36] : memref<8x8192xf32, #tpu.memory_space<vmem>> -> memref<1x8192xf32, #tpu.memory_space<vmem>>
      %dma_wait3A_38 = tpu.memref_squeeze %dma_wait3A_37 : memref<1x8192xf32, #tpu.memory_space<vmem>> -> memref<8192xf32, #tpu.memory_space<vmem>>
      tpu.wait_dma2 semaphore(%run_scoped3A_20 : memref<!tpu.dma_semaphore, #tpu.memory_space<semaphore_mem>>) src(%dma_wait3A_38 : memref<8192xf32, #tpu.memory_space<vmem>>) dst(%dma_wait3A_35 : memref<8192xf32, #tpu.memory_space<hbm>>)
      tpu.yield
    }) : () -> ()
    %run_scoped3A_12 = arith.constant 4 : i32
    %run_scoped3A_13 = arith.constant 4 : i32
    "tpu.region"() ({
      %run_scoped3A_20 = tpu.sem_alloc : memref<!tpu.dma_semaphore, #tpu.memory_space<semaphore_mem>>
      %dma_start3A = arith.constant 0 : i32
      %dma_start3A_21 = tpu.memref_slice %arg7[%run_scoped3A_12, %dma_start3A] : memref<8x8192xf32, #tpu.memory_space<vmem>> -> memref<1x8192xf32, #tpu.memory_space<vmem>>
      %dma_start3A_22 = tpu.memref_squeeze %dma_start3A_21 : memref<1x8192xf32, #tpu.memory_space<vmem>> -> memref<8192xf32, #tpu.memory_space<vmem>>
      %dma_start3A_23 = tpu.memref_slice %arg4[%run_scoped3A_13, %mul3A_2] : memref<8x262144xf32, #tpu.memory_space<hbm>> -> memref<1x8192xf32, #tpu.memory_space<hbm>>
      %dma_start3A_24 = tpu.memref_squeeze %dma_start3A_23 : memref<1x8192xf32, #tpu.memory_space<hbm>> -> memref<8192xf32, #tpu.memory_space<hbm>>
      %dma_start3A_25 = tpu.memref_slice %arg4[%run_scoped3A_13, %mul3A_2] : memref<8x262144xf32, #tpu.memory_space<hbm>> -> memref<1x8192xf32, #tpu.memory_space<hbm>>
      %dma_start3A_26 = tpu.memref_squeeze %dma_start3A_25 : memref<1x8192xf32, #tpu.memory_space<hbm>> -> memref<8192xf32, #tpu.memory_space<hbm>>
      %dma_start3A_27 = arith.constant 0 : i32
      %dma_start3A_28 = tpu.memref_slice %arg7[%run_scoped3A_12, %dma_start3A_27] : memref<8x8192xf32, #tpu.memory_space<vmem>> -> memref<1x8192xf32, #tpu.memory_space<vmem>>
      %dma_start3A_29 = tpu.memref_squeeze %dma_start3A_28 : memref<1x8192xf32, #tpu.memory_space<vmem>> -> memref<8192xf32, #tpu.memory_space<vmem>>
      tpu.enqueue_dma source(%dma_start3A_29 : memref<8192xf32, #tpu.memory_space<vmem>>) target(%dma_start3A_26 : memref<8192xf32, #tpu.memory_space<hbm>>) target_semaphore(%run_scoped3A_20 : memref<!tpu.dma_semaphore, #tpu.memory_space<semaphore_mem>>)
      %dma_wait3A = arith.constant 0 : i32
      %dma_wait3A_30 = tpu.memref_slice %arg7[%run_scoped3A_12, %dma_wait3A] : memref<8x8192xf32, #tpu.memory_space<vmem>> -> memref<1x8192xf32, #tpu.memory_space<vmem>>
      %dma_wait3A_31 = tpu.memref_squeeze %dma_wait3A_30 : memref<1x8192xf32, #tpu.memory_space<vmem>> -> memref<8192xf32, #tpu.memory_space<vmem>>
      %dma_wait3A_32 = tpu.memref_slice %arg4[%run_scoped3A_13, %mul3A_2] : memref<8x262144xf32, #tpu.memory_space<hbm>> -> memref<1x8192xf32, #tpu.memory_space<hbm>>
      %dma_wait3A_33 = tpu.memref_squeeze %dma_wait3A_32 : memref<1x8192xf32, #tpu.memory_space<hbm>> -> memref<8192xf32, #tpu.memory_space<hbm>>
      %dma_wait3A_34 = tpu.memref_slice %arg4[%run_scoped3A_13, %mul3A_2] : memref<8x262144xf32, #tpu.memory_space<hbm>> -> memref<1x8192xf32, #tpu.memory_space<hbm>>
      %dma_wait3A_35 = tpu.memref_squeeze %dma_wait3A_34 : memref<1x8192xf32, #tpu.memory_space<hbm>> -> memref<8192xf32, #tpu.memory_space<hbm>>
      %dma_wait3A_36 = arith.constant 0 : i32
      %dma_wait3A_37 = tpu.memref_slice %arg7[%run_scoped3A_12, %dma_wait3A_36] : memref<8x8192xf32, #tpu.memory_space<vmem>> -> memref<1x8192xf32, #tpu.memory_space<vmem>>
      %dma_wait3A_38 = tpu.memref_squeeze %dma_wait3A_37 : memref<1x8192xf32, #tpu.memory_space<vmem>> -> memref<8192xf32, #tpu.memory_space<vmem>>
      tpu.wait_dma2 semaphore(%run_scoped3A_20 : memref<!tpu.dma_semaphore, #tpu.memory_space<semaphore_mem>>) src(%dma_wait3A_38 : memref<8192xf32, #tpu.memory_space<vmem>>) dst(%dma_wait3A_35 : memref<8192xf32, #tpu.memory_space<hbm>>)
      tpu.yield
    }) : () -> ()
    %run_scoped3A_14 = arith.constant 5 : i32
    %run_scoped3A_15 = arith.constant 5 : i32
    "tpu.region"() ({
      %run_scoped3A_20 = tpu.sem_alloc : memref<!tpu.dma_semaphore, #tpu.memory_space<semaphore_mem>>
      %dma_start3A = arith.constant 0 : i32
      %dma_start3A_21 = tpu.memref_slice %arg7[%run_scoped3A_14, %dma_start3A] : memref<8x8192xf32, #tpu.memory_space<vmem>> -> memref<1x8192xf32, #tpu.memory_space<vmem>>
      %dma_start3A_22 = tpu.memref_squeeze %dma_start3A_21 : memref<1x8192xf32, #tpu.memory_space<vmem>> -> memref<8192xf32, #tpu.memory_space<vmem>>
      %dma_start3A_23 = tpu.memref_slice %arg4[%run_scoped3A_15, %mul3A_2] : memref<8x262144xf32, #tpu.memory_space<hbm>> -> memref<1x8192xf32, #tpu.memory_space<hbm>>
      %dma_start3A_24 = tpu.memref_squeeze %dma_start3A_23 : memref<1x8192xf32, #tpu.memory_space<hbm>> -> memref<8192xf32, #tpu.memory_space<hbm>>
      %dma_start3A_25 = tpu.memref_slice %arg4[%run_scoped3A_15, %mul3A_2] : memref<8x262144xf32, #tpu.memory_space<hbm>> -> memref<1x8192xf32, #tpu.memory_space<hbm>>
      %dma_start3A_26 = tpu.memref_squeeze %dma_start3A_25 : memref<1x8192xf32, #tpu.memory_space<hbm>> -> memref<8192xf32, #tpu.memory_space<hbm>>
      %dma_start3A_27 = arith.constant 0 : i32
      %dma_start3A_28 = tpu.memref_slice %arg7[%run_scoped3A_14, %dma_start3A_27] : memref<8x8192xf32, #tpu.memory_space<vmem>> -> memref<1x8192xf32, #tpu.memory_space<vmem>>
      %dma_start3A_29 = tpu.memref_squeeze %dma_start3A_28 : memref<1x8192xf32, #tpu.memory_space<vmem>> -> memref<8192xf32, #tpu.memory_space<vmem>>
      tpu.enqueue_dma source(%dma_start3A_29 : memref<8192xf32, #tpu.memory_space<vmem>>) target(%dma_start3A_26 : memref<8192xf32, #tpu.memory_space<hbm>>) target_semaphore(%run_scoped3A_20 : memref<!tpu.dma_semaphore, #tpu.memory_space<semaphore_mem>>)
      %dma_wait3A = arith.constant 0 : i32
      %dma_wait3A_30 = tpu.memref_slice %arg7[%run_scoped3A_14, %dma_wait3A] : memref<8x8192xf32, #tpu.memory_space<vmem>> -> memref<1x8192xf32, #tpu.memory_space<vmem>>
      %dma_wait3A_31 = tpu.memref_squeeze %dma_wait3A_30 : memref<1x8192xf32, #tpu.memory_space<vmem>> -> memref<8192xf32, #tpu.memory_space<vmem>>
      %dma_wait3A_32 = tpu.memref_slice %arg4[%run_scoped3A_15, %mul3A_2] : memref<8x262144xf32, #tpu.memory_space<hbm>> -> memref<1x8192xf32, #tpu.memory_space<hbm>>
      %dma_wait3A_33 = tpu.memref_squeeze %dma_wait3A_32 : memref<1x8192xf32, #tpu.memory_space<hbm>> -> memref<8192xf32, #tpu.memory_space<hbm>>
      %dma_wait3A_34 = tpu.memref_slice %arg4[%run_scoped3A_15, %mul3A_2] : memref<8x262144xf32, #tpu.memory_space<hbm>> -> memref<1x8192xf32, #tpu.memory_space<hbm>>
      %dma_wait3A_35 = tpu.memref_squeeze %dma_wait3A_34 : memref<1x8192xf32, #tpu.memory_space<hbm>> -> memref<8192xf32, #tpu.memory_space<hbm>>
      %dma_wait3A_36 = arith.constant 0 : i32
      %dma_wait3A_37 = tpu.memref_slice %arg7[%run_scoped3A_14, %dma_wait3A_36] : memref<8x8192xf32, #tpu.memory_space<vmem>> -> memref<1x8192xf32, #tpu.memory_space<vmem>>
      %dma_wait3A_38 = tpu.memref_squeeze %dma_wait3A_37 : memref<1x8192xf32, #tpu.memory_space<vmem>> -> memref<8192xf32, #tpu.memory_space<vmem>>
      tpu.wait_dma2 semaphore(%run_scoped3A_20 : memref<!tpu.dma_semaphore, #tpu.memory_space<semaphore_mem>>) src(%dma_wait3A_38 : memref<8192xf32, #tpu.memory_space<vmem>>) dst(%dma_wait3A_35 : memref<8192xf32, #tpu.memory_space<hbm>>)
      tpu.yield
    }) : () -> ()
    %run_scoped3A_16 = arith.constant 6 : i32
    %run_scoped3A_17 = arith.constant 6 : i32
    "tpu.region"() ({
      %run_scoped3A_20 = tpu.sem_alloc : memref<!tpu.dma_semaphore, #tpu.memory_space<semaphore_mem>>
      %dma_start3A = arith.constant 0 : i32
      %dma_start3A_21 = tpu.memref_slice %arg7[%run_scoped3A_16, %dma_start3A] : memref<8x8192xf32, #tpu.memory_space<vmem>> -> memref<1x8192xf32, #tpu.memory_space<vmem>>
      %dma_start3A_22 = tpu.memref_squeeze %dma_start3A_21 : memref<1x8192xf32, #tpu.memory_space<vmem>> -> memref<8192xf32, #tpu.memory_space<vmem>>
      %dma_start3A_23 = tpu.memref_slice %arg4[%run_scoped3A_17, %mul3A_2] : memref<8x262144xf32, #tpu.memory_space<hbm>> -> memref<1x8192xf32, #tpu.memory_space<hbm>>
      %dma_start3A_24 = tpu.memref_squeeze %dma_start3A_23 : memref<1x8192xf32, #tpu.memory_space<hbm>> -> memref<8192xf32, #tpu.memory_space<hbm>>
      %dma_start3A_25 = tpu.memref_slice %arg4[%run_scoped3A_17, %mul3A_2] : memref<8x262144xf32, #tpu.memory_space<hbm>> -> memref<1x8192xf32, #tpu.memory_space<hbm>>
      %dma_start3A_26 = tpu.memref_squeeze %dma_start3A_25 : memref<1x8192xf32, #tpu.memory_space<hbm>> -> memref<8192xf32, #tpu.memory_space<hbm>>
      %dma_start3A_27 = arith.constant 0 : i32
      %dma_start3A_28 = tpu.memref_slice %arg7[%run_scoped3A_16, %dma_start3A_27] : memref<8x8192xf32, #tpu.memory_space<vmem>> -> memref<1x8192xf32, #tpu.memory_space<vmem>>
      %dma_start3A_29 = tpu.memref_squeeze %dma_start3A_28 : memref<1x8192xf32, #tpu.memory_space<vmem>> -> memref<8192xf32, #tpu.memory_space<vmem>>
      tpu.enqueue_dma source(%dma_start3A_29 : memref<8192xf32, #tpu.memory_space<vmem>>) target(%dma_start3A_26 : memref<8192xf32, #tpu.memory_space<hbm>>) target_semaphore(%run_scoped3A_20 : memref<!tpu.dma_semaphore, #tpu.memory_space<semaphore_mem>>)
      %dma_wait3A = arith.constant 0 : i32
      %dma_wait3A_30 = tpu.memref_slice %arg7[%run_scoped3A_16, %dma_wait3A] : memref<8x8192xf32, #tpu.memory_space<vmem>> -> memref<1x8192xf32, #tpu.memory_space<vmem>>
      %dma_wait3A_31 = tpu.memref_squeeze %dma_wait3A_30 : memref<1x8192xf32, #tpu.memory_space<vmem>> -> memref<8192xf32, #tpu.memory_space<vmem>>
      %dma_wait3A_32 = tpu.memref_slice %arg4[%run_scoped3A_17, %mul3A_2] : memref<8x262144xf32, #tpu.memory_space<hbm>> -> memref<1x8192xf32, #tpu.memory_space<hbm>>
      %dma_wait3A_33 = tpu.memref_squeeze %dma_wait3A_32 : memref<1x8192xf32, #tpu.memory_space<hbm>> -> memref<8192xf32, #tpu.memory_space<hbm>>
      %dma_wait3A_34 = tpu.memref_slice %arg4[%run_scoped3A_17, %mul3A_2] : memref<8x262144xf32, #tpu.memory_space<hbm>> -> memref<1x8192xf32, #tpu.memory_space<hbm>>
      %dma_wait3A_35 = tpu.memref_squeeze %dma_wait3A_34 : memref<1x8192xf32, #tpu.memory_space<hbm>> -> memref<8192xf32, #tpu.memory_space<hbm>>
      %dma_wait3A_36 = arith.constant 0 : i32
      %dma_wait3A_37 = tpu.memref_slice %arg7[%run_scoped3A_16, %dma_wait3A_36] : memref<8x8192xf32, #tpu.memory_space<vmem>> -> memref<1x8192xf32, #tpu.memory_space<vmem>>
      %dma_wait3A_38 = tpu.memref_squeeze %dma_wait3A_37 : memref<1x8192xf32, #tpu.memory_space<vmem>> -> memref<8192xf32, #tpu.memory_space<vmem>>
      tpu.wait_dma2 semaphore(%run_scoped3A_20 : memref<!tpu.dma_semaphore, #tpu.memory_space<semaphore_mem>>) src(%dma_wait3A_38 : memref<8192xf32, #tpu.memory_space<vmem>>) dst(%dma_wait3A_35 : memref<8192xf32, #tpu.memory_space<hbm>>)
      tpu.yield
    }) : () -> ()
    %run_scoped3A_18 = arith.constant 7 : i32
    %run_scoped3A_19 = arith.constant 7 : i32
    "tpu.region"() ({
      %run_scoped3A_20 = tpu.sem_alloc : memref<!tpu.dma_semaphore, #tpu.memory_space<semaphore_mem>>
      %dma_start3A = arith.constant 0 : i32
      %dma_start3A_21 = tpu.memref_slice %arg7[%run_scoped3A_18, %dma_start3A] : memref<8x8192xf32, #tpu.memory_space<vmem>> -> memref<1x8192xf32, #tpu.memory_space<vmem>>
      %dma_start3A_22 = tpu.memref_squeeze %dma_start3A_21 : memref<1x8192xf32, #tpu.memory_space<vmem>> -> memref<8192xf32, #tpu.memory_space<vmem>>
      %dma_start3A_23 = tpu.memref_slice %arg4[%run_scoped3A_19, %mul3A_2] : memref<8x262144xf32, #tpu.memory_space<hbm>> -> memref<1x8192xf32, #tpu.memory_space<hbm>>
      %dma_start3A_24 = tpu.memref_squeeze %dma_start3A_23 : memref<1x8192xf32, #tpu.memory_space<hbm>> -> memref<8192xf32, #tpu.memory_space<hbm>>
      %dma_start3A_25 = tpu.memref_slice %arg4[%run_scoped3A_19, %mul3A_2] : memref<8x262144xf32, #tpu.memory_space<hbm>> -> memref<1x8192xf32, #tpu.memory_space<hbm>>
      %dma_start3A_26 = tpu.memref_squeeze %dma_start3A_25 : memref<1x8192xf32, #tpu.memory_space<hbm>> -> memref<8192xf32, #tpu.memory_space<hbm>>
      %dma_start3A_27 = arith.constant 0 : i32
      %dma_start3A_28 = tpu.memref_slice %arg7[%run_scoped3A_18, %dma_start3A_27] : memref<8x8192xf32, #tpu.memory_space<vmem>> -> memref<1x8192xf32, #tpu.memory_space<vmem>>
      %dma_start3A_29 = tpu.memref_squeeze %dma_start3A_28 : memref<1x8192xf32, #tpu.memory_space<vmem>> -> memref<8192xf32, #tpu.memory_space<vmem>>
      tpu.enqueue_dma source(%dma_start3A_29 : memref<8192xf32, #tpu.memory_space<vmem>>) target(%dma_start3A_26 : memref<8192xf32, #tpu.memory_space<hbm>>) target_semaphore(%run_scoped3A_20 : memref<!tpu.dma_semaphore, #tpu.memory_space<semaphore_mem>>)
      %dma_wait3A = arith.constant 0 : i32
      %dma_wait3A_30 = tpu.memref_slice %arg7[%run_scoped3A_18, %dma_wait3A] : memref<8x8192xf32, #tpu.memory_space<vmem>> -> memref<1x8192xf32, #tpu.memory_space<vmem>>
      %dma_wait3A_31 = tpu.memref_squeeze %dma_wait3A_30 : memref<1x8192xf32, #tpu.memory_space<vmem>> -> memref<8192xf32, #tpu.memory_space<vmem>>
      %dma_wait3A_32 = tpu.memref_slice %arg4[%run_scoped3A_19, %mul3A_2] : memref<8x262144xf32, #tpu.memory_space<hbm>> -> memref<1x8192xf32, #tpu.memory_space<hbm>>
      %dma_wait3A_33 = tpu.memref_squeeze %dma_wait3A_32 : memref<1x8192xf32, #tpu.memory_space<hbm>> -> memref<8192xf32, #tpu.memory_space<hbm>>
      %dma_wait3A_34 = tpu.memref_slice %arg4[%run_scoped3A_19, %mul3A_2] : memref<8x262144xf32, #tpu.memory_space<hbm>> -> memref<1x8192xf32, #tpu.memory_space<hbm>>
      %dma_wait3A_35 = tpu.memref_squeeze %dma_wait3A_34 : memref<1x8192xf32, #tpu.memory_space<hbm>> -> memref<8192xf32, #tpu.memory_space<hbm>>
      %dma_wait3A_36 = arith.constant 0 : i32
      %dma_wait3A_37 = tpu.memref_slice %arg7[%run_scoped3A_18, %dma_wait3A_36] : memref<8x8192xf32, #tpu.memory_space<vmem>> -> memref<1x8192xf32, #tpu.memory_space<vmem>>
      %dma_wait3A_38 = tpu.memref_squeeze %dma_wait3A_37 : memref<1x8192xf32, #tpu.memory_space<vmem>> -> memref<8192xf32, #tpu.memory_space<vmem>>
      tpu.wait_dma2 semaphore(%run_scoped3A_20 : memref<!tpu.dma_semaphore, #tpu.memory_space<semaphore_mem>>) src(%dma_wait3A_38 : memref<8192xf32, #tpu.memory_space<vmem>>) dst(%dma_wait3A_35 : memref<8192xf32, #tpu.memory_space<hbm>>)
      tpu.yield
    }) : () -> ()
    return
  }
}

module attributes {stable_mosaic.version = 14 : i64} {
  func.func @_tc_body(%arg0: i32, %arg1: memref<8x512x512xf32, #tpu.memory_space<vmem>>, %arg2: memref<1x8x501x501xf32, #tpu.memory_space<vmem>>) attributes {dimension_semantics = [#tpu.dimension_semantics<arbitrary>], iteration_bounds = array<i64: 16>, scalar_prefetch = 0 : i64, scratch_operands = 0 : i64, tpu.core_type = #tpu.core_type<tc>, window_params = [{pipeline_mode = #tpu.pipeline_mode<synchronous>, transform_indices = @transform_0, window_bounds = array<i64: 8, 512, 512>}, {transform_indices = @transform_1, window_bounds = array<i64: 1, 8, 501, 501>}]} {
    %get3A = arith.constant 0 : index
    %get3A_0 = arith.constant 0 : index
    %get3A_1 = arith.constant 0 : index
    %get3A_2 = vector.load %arg1[%get3A, %get3A_0, %get3A_1] : memref<8x512x512xf32, #tpu.memory_space<vmem>>, vector<8x501x501xf32>
    %broadcast_in_dim3A = vector.shape_cast %get3A_2 : vector<8x501x501xf32> to vector<1x8x501x501xf32>
    %swap3A = arith.constant 0 : index
    %swap3A_3 = arith.constant 0 : index
    %swap3A_4 = arith.constant 0 : index
    %swap3A_5 = arith.constant 0 : index
    %swap3A_6 = vector.load %arg2[%swap3A, %swap3A_3, %swap3A_4, %swap3A_5] : memref<1x8x501x501xf32, #tpu.memory_space<vmem>>, vector<1x8x501x501xf32>
    tpu.vector_store %arg2[%swap3A, %swap3A_3, %swap3A_4, %swap3A_5], %broadcast_in_dim3A {strides = array<i32>} : memref<1x8x501x501xf32, #tpu.memory_space<vmem>>, vector<1x8x501x501xf32>,
    return
  }
  func.func @transform_0(%arg0: i32) -> (i32, i32, i32) {
    %c0_i32 = arith.constant 0 : i32
    %c0_i32_0 = arith.constant 0 : i32
    %c0_i32_1 = arith.constant 0 : i32
    %c0_i32_2 = arith.constant 0 : i32
    return %c0_i32, %c0_i32_0, %c0_i32_1 : i32, i32, i32
  }
  func.func @transform_1(%arg0: i32) -> (i32, i32, i32, i32) {
    %c0_i32 = arith.constant 0 : i32
    %c0_i32_0 = arith.constant 0 : i32
    %c0_i32_1 = arith.constant 0 : i32
    %c0_i32_2 = arith.constant 0 : i32
    return %arg0, %c0_i32, %c0_i32_0, %c0_i32_1 : i32, i32, i32, i32
  }
}

</mosaic_0001>

<sc_bundles>
// kernel: kernel.4.cloned.1.call-start
scs
__scs_entry_jumppad:
0x0: {  	(pc) =	sbr.rel $0x88, $3  }
0x1: {  	(tag) =	ssettag $0x0;
	lr =	simm.s32 $0x1  }
0x2: {  	[smem:$0x3F9F] =	sst lr;
	_ =	strace $0xD0000000  }
0x3: {  	_ = 	snop  }
0x4: {  	_ = 	snop  }
0x5: {  	_ = 	snop  }
0x6: {  	_ = 	snop  }
0x7: {  	_ = 	snop  }
__scs_overlays_trampoline_lowered:
0x8: {  	[smem:$0x3FAE] =	sst s0  }
0x9: {  	[smem:$0x3FAF] =	sst s1  }
0xa: {  	[smem:$0x3FB0] =	sst s2  }
0xb: {  	[smem:$0x3FB1] =	sst s3  }
0xc: {  	[smem:$0x3FB2] =	sst s4  }
0xd: {  	[smem:$0x3FB3] =	sst s5  }
0xe: {  	[smem:$0x3FB4] =	sst s6  }
0xf: {  	[smem:$0x3FB5] =	sst s7  }
0x10: {  	[smem:$0x3FB6] =	sst s8  }
0x11: {  	[smem:$0x3FB7] =	sst s9;
	s0 =	simm.s32 @!p0 $0x0  }
0x12: {  	s1 =	sld [smem:$0x3F9D];
	s0 =	simm.s32 @p0 $0x1  }
0x13: {  	[smem:$0x3FB8] =	sst s0;
	s0 =	simm.s32 @!p1 $0x0  }
0x14: {  	s2 =	sld [smem:$0x3F9C];
	s0 =	simm.s32 @p1 $0x1  }
0x15: {  	[smem:$0x3FB9] =	sst s0;
	s0 =	simm.s32 @!p2 $0x0  }
0x16: {  	s3 =	sld [smem:$0x3FDB];
	s0 =	simm.s32 @p2 $0x1  }
0x17: {  	s4 =	simm.s32 $0x1BF5;
	[smem:$0x3FBB] =	sst s0  }
0x18: {  	s0 =	sld [smem:$0x3F9E];
	_ =	swait.ge [sflag:s4], $0x0  }
0x19: {  	s7 =	sld [smem:$0x3F9F]  }
0x1a: {  	s8 =	sadd.s32 $0xFFFFE003, lr  }
0x1b: {  	s9 =	sadd.s32 $0xFFFFFEF7, lr;
	s5 =	simm.s32 $0xFFFFFFFF;
	p2 =	slt.u32 s8, $0xFFFFF086  }
0x1c: {  	p1 =	slt.u32 s9, $0xF7A;
	s5 =	simm.s32 @!p2 $0x0  }
0x1d: {  	s5 =	simm.s32 @p1 $0x1;
	p0 =	seq.s32 s7, s2  }
0x1e: {  	s7 =	smul.u32 @!p0 $0xF7A, s2;
	p2 =	seq.s32 @!p0 s5, $0x0  }
0x1f: {  	s9 =	smul.u32 $0xF7A, s1;
	s8 =	simm.s32 @!p0 $0x1BF5;
	p2 =	por !p2, p0  }
0x20: {  	[sflag:s8] =	ssyncset.s32 @!p0 $0xFFFFF086;
	s6 =	sadd.s32 @!p0 s3, s7;
	s7 =	simm.s32 @!p0 $0x108  }
0x21: {  	s3 =	sadd.s32 s3, s9;
	s6 =	sadd.s32 @!p0 $0x88, s6;
	s7 =	simm.s32 @p2 $0x1082  }
0x22: {  	[simem:s7], [sflag:s8] =	dma.local @!p0 [hbm:s6], $0xF7A  }
0x23: {  	s9 =	sor.u32 $0xD0000000, s2;
	s6 =	simm.s32 $0x108;
	_ =	swait.ge @!p0 [sflag:s8], $0x0  }
0x24: {  	s3 =	sadd.s32 $0x88, s3;
	s6 =	simm.s32 @!p1 $0x1082;
	[sflag:s4] =	ssyncset.s32 $0xFFFFF086  }
0x25: {  	[simem:s6], [sflag:s4] =	dma.local [hbm:s3], $0xF7A  }
0x26: {  	[smem:$0x3F9F] =	sst s1;
	(tag) =	ssettag s2;
	_ =	strace s9  }
0x27: {  	s1 =	sld [smem:$0x3FAF]  }
0x28: {  	s2 =	sld [smem:$0x3FB0]  }
0x29: {  	s4 =	sld [smem:$0x3FB2]  }
0x2a: {  	p0 =	seq.s32 s5, $0x0;
	s5 =	sld [smem:$0x3FB3]  }
0x2b: {  	s6 =	sld [smem:$0x3FB4]  }
0x2c: {  	s7 =	sld [smem:$0x3FB5]  }
0x2d: {  	s3 =	simm.s32 $0x108;
	s8 =	sld [smem:$0x3FB6]  }
0x2e: {  	s3 =	simm.s32 @!p0 $0x1082;
	s9 =	sld [smem:$0x3FB7]  }
0x2f: {  	lr =	sadd.s32 s0, s3;
	s0 =	sld [smem:$0x3FAE]  }
0x30: {  	s3 =	sld [smem:$0x3FB1]  }
0x31: {  	[smem:$0x3FBA] =	sst s10  }
0x32: {  	s10 =	sld [smem:$0x3FB8];
	_ =	sdelay $0x3  }
0x33: {  	p0 =	seq.s32 s10, $0x1;
	s10 =	sld [smem:$0x3FBA];
	_ =	sdelay $0x3  }
0x34: {  	[smem:$0x3FBA] =	sst s10  }
0x35: {  	s10 =	sld [smem:$0x3FB9];
	_ =	sdelay $0x3  }
0x36: {  	p1 =	seq.s32 s10, $0x1;
	s10 =	sld [smem:$0x3FBA];
	_ =	sdelay $0x3  }
0x37: {  	[smem:$0x3FBA] =	sst s10  }
0x38: {  	s10 =	sld [smem:$0x3FBB]  }
0x39: {  	_ = 	snop;
	(pc) =	sbr.ind lr, $3  }
0x3a: {  	_ = 	snop  }
0x3b: {  	_ = 	snop  }
0x3c: {  	p2 =	seq.s32 s10, $0x1;
	s10 =	sld [smem:$0x3FBA]  }
0x3d: {  	_ =	shalt  }
0x3e: {  	_ =	shalt  }
0x3f: {  	_ =	shalt  }
0x40: {  	_ =	shalt  }
0x41: {  	_ =	shalt  }
0x42: {  	_ =	shalt  }
0x43: {  	_ =	shalt  }
0x44: {  	_ =	shalt  }
0x45: {  	_ =	shalt  }
0x46: {  	_ =	shalt  }
0x47: {  	_ =	shalt  }
0x48: {  	_ =	shalt  }
0x49: {  	_ =	shalt  }
0x4a: {  	_ =	shalt  }
0x4b: {  	_ =	shalt  }
0x4c: {  	_ =	shalt  }
0x4d: {  	_ =	shalt  }
0x4e: {  	_ =	shalt  }
0x4f: {  	_ =	shalt  }
0x50: {  	_ =	shalt  }
0x51: {  	_ =	shalt  }
0x52: {  	_ =	shalt  }
0x53: {  	_ =	shalt  }
0x54: {  	_ =	shalt  }
0x55: {  	_ =	shalt  }
0x56: {  	_ =	shalt  }
0x57: {  	_ =	shalt  }
0x58: {  	_ =	shalt  }
0x59: {  	_ =	shalt  }
0x5a: {  	_ =	shalt  }
0x5b: {  	_ =	shalt  }
0x5c: {  	_ =	shalt  }
0x5d: {  	_ =	shalt  }
0x5e: {  	_ =	shalt  }
0x5f: {  	_ =	shalt  }
0x60: {  	_ =	shalt  }
0x61: {  	_ =	shalt  }
0x62: {  	_ =	shalt  }
0x63: {  	_ =	shalt  }
0x64: {  	_ =	shalt  }
0x65: {  	_ =	shalt  }
0x66: {  	_ =	shalt  }
0x67: {  	_ =	shalt  }
0x68: {  	_ =	shalt  }
0x69: {  	_ =	shalt  }
0x6a: {  	_ =	shalt  }
0x6b: {  	_ =	shalt  }
0x6c: {  	_ =	shalt  }
0x6d: {  	_ =	shalt  }
0x6e: {  	_ =	shalt  }
0x6f: {  	_ =	shalt  }
0x70: {  	_ =	shalt  }
0x71: {  	_ =	shalt  }
0x72: {  	_ =	shalt  }
0x73: {  	_ =	shalt  }
0x74: {  	_ =	shalt  }
0x75: {  	_ =	shalt  }
0x76: {  	_ =	shalt  }
0x77: {  	_ =	shalt  }
0x78: {  	_ =	shalt  }
0x79: {  	_ =	shalt  }
0x7a: {  	_ =	shalt  }
0x7b: {  	_ =	shalt  }
0x7c: {  	_ =	shalt  }
0x7d: {  	_ =	shalt  }
0x7e: {  	_ =	shalt  }
0x7f: {  	_ =	shalt  }
0x80: {  	_ =	shalt  }
0x81: {  	_ =	shalt  }
0x82: {  	_ =	shalt  }
0x83: {  	_ =	shalt  }
0x84: {  	_ =	shalt  }
0x85: {  	_ =	shalt  }
0x86: {  	_ =	shalt  }
0x87: {  	_ =	shalt  }
.Lfunc_end0:
.L_simem_size_0:
called_computation_lowered:
.L_overlay_start_0:
0x88: {  	s2 =	sld [smem:$0x3FD9]  }
0x89: {  	s3 =	sld [smem:$0x3FFE];
	_ =	sdelay $0x1  }
0x8a: {  	s1 =	srdreg.scid  }
0x8b: {  	s0 =	sand.u32 $0x1, s1  }
0x8c: {  	s17 =	sshll.u32 s0, $0xA;
	s2 =	sadd.s32 s3, s2  }
0x8d: {  	s2 =	sadd.s32 s2, s17  }
0x8e: {  	[smem:$0x3FC6] =	sst s2  }
0x8f: {  	_ = 	snop  }
0x90: {  	s2 =	sld [smem:$0x3FD0];
	(tm) =	ssettm $0x1  }
0x91: {  	s18 =	sld [smem:$0x3FFB];
	_ =	sdelay $0x3  }
0x92: {  	_ =	strace s18  }
0x93: {  	s3 =	sld [smem:$0x3FFC];
	_ =	sdelay $0x3  }
0x94: {  	_ =	strace s3  }
0x95: {  	s3 =	sld [smem:$0x3FFD];
	_ =	sdelay $0x3  }
0x96: {  	_ =	strace s3  }
0x97: {  	_ =	strace $0x8FFFFFFF  }
0x98: {  	s19 =	sld [smem:$0x3FDB];
	_ =	sdelay $0x1  }
0x99: {  	s4 =	simm.s32 $_scs_section_size  }
0x9a: {  	s5 =	simm.s32 $_size__tile_overlayer_lowered;
	s6 =	simm.s32 $_tile_overlayer_lowered  }
0x9b: {  	s22 =	simm.s32 $0x1BFF;
	s21 =	sshll.u32 s6, $0x1;
	s3 =	sadd.s32 s4, s19  }
0x9c: {  	s7 =	simm.s32 $0x0;
	s20 =	sshll.u32 s5, $0x1;
	s5 =	sadd.s32 s21, s3  }
0x9d: {  	[timem:s7], [sflag:s22] =	dma.local [hbm:s5], s20  }
0x9e: {  	_ =	swait.ge [sflag:s22], s20  }
0x9f: {  	s4 =	ssub.s32 $0x0, s20;
	[sflag:s22] =	ssyncset.done $0x0  }
0xa0: {  	[sflag:s22] =	ssyncadd.s32 s4;
	_ =	sdelay $0x1  }
0xa1: {  	s23 =	simm.s32 $0x1B8B  }
0xa2: {  	_ =	swait.ge [sflag:s23], $0x1  }
0xa3: {  	[sflag:s23] =	ssyncset.done $0x0  }
0xa4: {  	s25 =	simm.s32 $0x1B8E;
	s24 =	sld [smem:$0x3FFE];
	[sflag:s23] =	ssyncadd.s32 $0xFFFFFFFF  }
0xa5: {  	s26 =	simm.s32 $execute0_lowered;
	[smem:$0x3FD2] =	sst s25  }
0xa6: {  	s5 =	sshll.u32 s26, $0x1;
	_ =	strace $0x80000046;
	[dreg:$0x1] =	wrdreg $0xFFFFFFFF  }
0xa7: {  	s28 =	simm.s32 $_size_execute0_lowered;
	s3 =	sadd.s32 s3, s5;
	[dreg:$0x0] =	wrdreg $0x0  }
0xa8: {  	s5 =	sshll.u32 s28, $0x1;
	[dreg:$0x2] =	wrdreg s3  }
0xa9: {  	[dreg:$0x3] =	wrdreg s5  }
0xaa: {  	[dreg:$0x4] =	wrdreg $0xC0  }
0xab: {  	_ =	task [dreg:s7], $0x5FFFF  }
0xac: {  	[dreg:$0x1] =	wrdreg $0xFFFFFFFF  }
0xad: {  	[dreg:$0x0] =	wrdreg $0x60  }
0xae: {  	[dreg:$0x2] =	wrdreg s24  }
0xaf: {  	[dreg:$0x3] =	wrdreg s2  }
0xb0: {  	[dreg:$0x4] =	wrdreg $0x9  }
0xb1: {  	_ =	task.clear_ibuf [dreg:s7], $0x5FFFF;
	_ =	strace $0x90000046  }
0xb2: {  	s29 =	simm.s32 $0x9;
	_ =	strace $0x80000048  }
0xb3: {  	_ =	swait.ge [sflag:s29], $0x1  }
0xb4: {  	[sflag:s29] =	ssyncadd.s32 $0xFFFFFFFF  }
0xb5: {  	_ =	strace $0x90000048  }
0xb6: {  	_ =	sfence  }
0xb7: {  	s30 =	sld [smem:$0x0];
	_ =	sdelay $0x2  }
0xb8: {  	s31 =	sshll.u32 s1, $0xD;
	s1 =	sshrl.u32 s1, $0x2  }
0xb9: {  	s3 =	sand.u32 $0x4000, s31;
	s1 =	sadd.s32 s1, s30  }
0xba: {  	s0 =	sor.u32 s3, s0;
	s1 =	sshll.u32 s1, $0x11  }
0xbb: {  	s0 =	sor.u32 s1, s0  }
0xbc: {  	s0 =	sadd.s32 $0x8F2B, s0  }
0xbd: {  	[sflag:s0] =	ssyncadd.remote.s32 $0x1  }
0xbe: {  	_ =	sfence.sel $0xFFFF  }
0xbf: {  	[dreg:$0x0] =	wrdreg $0xFFFFFFFF;
	(pc) =	sbr.abs _section_cstart, $3  }
0xc0: {  	[dreg:$0x1] =	wrdreg $0xFFFFFFFF  }
0xc1: {  	_ =	task.clear_ibuf [dreg:s7], $0x2FFFF;
	_ =	strace $0x9FFFFFFF  }
0xc2: {  	(tm) =	ssettm $0x7FFFFFFF  }
0xc3: {  	_ =	shalt  }
tec
execute0_lowered:
.L_overlay_start_1:
0x0: {  	(tag) =	ssettag $0x1  }
0x1: {  	s6 =	rddreg [dreg:$0x0]  }
0x2: {  	s0 =	rddreg [dreg:$0x1];
	s1 =	srdreg.scid  }
0x3: {  	s2 =	stileid.u32;
	s3 =	simm.s32 $0x0;
	s13 =	simm.s32 $0x1  }
0x4: {  	s15 =	simm.s32 $0x2000;
	s1 =	sand.u32 $0x1, s1;
	s2 =	sshll.u32 s2, $0xE  }
0x5: {  	[smem:$0x7FF] =	sst s3;
	s4 =	sshll.u32 s1, $0xD;
	s1 =	ssub.s32 $0x2, s1  }
0x6: {  	_ =	strace $0x80000047;
	s2 =	sor.u32 s4, s2;
	s5 =	sshrl.u32 s1, $0x1  }
0x7: {  	s4 =	sshrl.u32 s2, $0x3;
	s1 =	ssub.s32 s1, s5;
	s28 =	sadd.s32 s0, s2  }
0x8: {  	s4 =	sadd.s32 s4, s6;
	s30 =	sadd.s32 $0x10, s28;
	s7 =	sadd.s32 $0x20, s28  }
0x9: {  	s8 =	sadd.s32 $0x30, s28;
	s31 =	smax.u32 s1, $0x1;
	[dreg:$0x3] =	wrdreg s28  }
0xa: {  	s9 =	sadd.s32 $0x40, s28;
	s10 =	sadd.s32 $0x50, s28;
	[dreg:$0x6] =	wrdreg s31  }
0xb: {  	s11 =	sadd.s32 $0x60, s28;
	s29 =	sadd.s32 $0x200, s4;
	[dreg:$0x5] =	wrdreg s30  }
0xc: {  	s12 =	sadd.s32 $0x70, s28;
	s1 =	simm.s32 $0x0;
	[dreg:$0x4] =	wrdreg s29  }
.LBB2_1:
0xd: {  	[dreg:$0x7] =	wrdreg s1  }
0xe: {  	s0 =	rddreg [dreg:$0x4]  }
0xf: {  	[tilespmem:s3], [sflag:$0x1] =	stream.linear.gather [hbm4b:s0+s3], $0x2000, $0x38;
	[tilespmem:$0x12200] =	vst v63  }
0x10: {  	_ =	swait.ge [sflag:s13], $0x2000  }
0x11: {  	[sflag:s13] =	ssyncset.done $0x0  }
0x12: {  	[sflag:s13] =	ssyncadd.s32 $0xFFFFE000  }
0x13: {  	s20 =	rddreg [dreg:$0x0]  }
0x14: {  	[tilespmem:s15], [sflag:$0x1] =	stream.linear.gather [hbm4b:s20+s3], $0x200, $0x38;
	[tilespmem:$0x12200] =	vst v63  }
0x15: {  	s21 =	sand.u32 $0x40, s3;
	_ =	swait.ge [sflag:s13], $0x200  }
0x16: {  	s22 =	sand.u32 $0x1F80, s3;
	s2 =	sor.u32 $0x30, s21;
	[sflag:s13] =	ssyncset.done $0x0  }
0x17: {  	s5 =	sor.u32 $0x10, s21;
	s4 =	sor.u32 s2, s22;
	[sflag:s13] =	ssyncadd.s32 $0xFFFFFE00  }
0x18: {  	s24 =	sor.u32 $0x20, s21;
	s23 =	sor.u32 s5, s22;
	v5 =	vld [tilespmem:s4+$0x0]  }
0x19: {  	s1 =	sor.u32 s24, s22;
	v4 =	vld [tilespmem:s23+$0x0]  }
0x1a: {  	v3 =	vld [tilespmem:s1+$0x0];
	_ =	sdelay $0x1  }
0x1b: {  	v0 =	vld [tilespmem:s3+$0x0];
	_ =	sdelay $0x3  }
0x1c: {  	v1 =	vld.idx.msk [tilespmem:v5+s15+$0x0], $0xffff  }
0x1d: {  	v2 =	vadd.s32 $0x40, v5;
	v6 =	vld.idx.msk [tilespmem:v4+s15+$0x0], $0xffff  }
0x1e: {  	s25 =	sand.u32 $0xFC00, s3;
	v7 =	vadd.s32 $0x40, v4;
	v8 =	vld.idx.msk [tilespmem:v3+s15+$0x0], $0xffff  }
0x1f: {  	s1 =	sadd.s32 $0x2200, s25;
	v10 =	vadd.s32 $0x40, v3  }
0x20: {  	s2 =	sor.u32 s2, s1;
	v9 =	vld.idx.msk [tilespmem:v0+s15+$0x0], $0xffff  }
0x21: {  	s26 =	sor.u32 s5, s1;
	[tilespmem:s2+$0x0] =	vst v1  }
0x22: {  	s31 =	sor.u32 s24, s1;
	v11 =	vadd.s32 $0x40, v0;
	[tilespmem:s26+$0x0] =	vst v6;
	v1 =	vld.idx.msk [tilespmem:v2+s15+$0x0], $0xffff  }
0x23: {  	[tilespmem:s31+$0x0] =	vst v8;
	v2 =	vadd.s32 $0x80, v5;
	v6 =	vld.idx.msk [tilespmem:v7+s15+$0x0], $0xffff  }
0x24: {  	s1 =	sor.u32 s21, s1;
	v7 =	vadd.s32 $0x80, v4;
	v8 =	vld.idx.msk [tilespmem:v10+s15+$0x0], $0xffff  }
0x25: {  	[tilespmem:s1+$0x0] =	vst v9;
	v9 =	vadd.s32 $0x80, v3;
	_ =	sdelay $0x1  }
0x26: {  	v10 =	vld.idx.msk [tilespmem:v11+s15+$0x0], $0xffff;
	[tilespmem:s2+$0x80] =	vst v1  }
0x27: {  	s17 =	simm.s32 $0x40;
	v11 =	vadd.s32 $0x80, v0;
	[tilespmem:s26+$0x80] =	vst v6;
	v1 =	vld.idx.msk [tilespmem:v2+s15+$0x0], $0xffff  }
0x28: {  	s13 =	sand.u32 $0x40, s17;
	[tilespmem:s31+$0x80] =	vst v8;
	v2 =	vadd.s32 $0xC0, v5;
	v6 =	vld.idx.msk [tilespmem:v7+s15+$0x0], $0xffff  }
0x29: {  	s6 =	sand.u32 $0x1F80, s17;
	s19 =	sor.u32 $0x10, s13;
	v7 =	vadd.s32 $0xC0, v4;
	v8 =	vld.idx.msk [tilespmem:v9+s15+$0x0], $0xffff  }
0x2a: {  	s20 =	sor.u32 s19, s6;
	v9 =	vadd.s32 $0xC0, v3  }
0x2b: {  	v15 =	vld [tilespmem:s20+$0x0];
	[tilespmem:s1+$0x80] =	vst v10  }
0x2c: {  	v10 =	vld.idx.msk [tilespmem:v11+s15+$0x0], $0xffff;
	[tilespmem:s2+$0x100] =	vst v1  }
0x2d: {  	v11 =	vadd.s32 $0xC0, v0;
	[tilespmem:s26+$0x100] =	vst v6;
	v12 =	vld.idx.msk [tilespmem:v2+s15+$0x0], $0xffff  }
0x2e: {  	s14 =	sor.u32 $0x30, s13;
	[tilespmem:s31+$0x100] =	vst v8;
	v7 =	vld.idx.msk [tilespmem:v7+s15+$0x0], $0xffff  }
0x2f: {  	s16 =	sor.u32 s14, s6;
	s21 =	sor.u32 $0x20, s13;
	v6 =	vadd.s32 $0x100, v5;
	v8 =	vld.idx.msk [tilespmem:v9+s15+$0x0], $0xffff  }
0x30: {  	s0 =	sor.u32 s21, s6;
	v9 =	vadd.s32 $0x100, v4;
	v2 =	vld [tilespmem:s16+$0x0]  }
0x31: {  	v16 =	vld [tilespmem:s0+$0x0];
	[tilespmem:s1+$0x100] =	vst v10  }
0x32: {  	v10 =	vld.idx.msk [tilespmem:v11+s15+$0x0], $0xffff;
	v11 =	vadd.s32 $0x100, v3  }
0x33: {  	p0 =	por $0x0, $0x0;
	s18 =	simm.s32 $0x1;
	v1 =	vld [tilespmem:s17+$0x0];
	[tilespmem:s2+$0x180] =	vst v12  }
0x34: {  	s18 =	simm.s32 @!p0 $0x0;
	v12 =	vadd.s32 $0x100, v0;
	[tilespmem:s26+$0x180] =	vst v7;
	v6 =	vld.idx.msk [tilespmem:v6+s15+$0x0], $0xffff  }
0x35: {  	s22 =	sshll.u32 s18, $0x6;
	[tilespmem:s31+$0x180] =	vst v8;
	v8 =	vld.idx.msk [tilespmem:v9+s15+$0x0], $0xffff  }
0x36: {  	s0 =	sadd.s32 $0x0, s22;
	v17 =	vld.idx.msk [tilespmem:v15+s15+$0x0], $0xffff;
	v7 =	vadd.s32 $0x140, v5  }
0x37: {  	s18 =	simm.s32 $0x200;
	[tilespmem:s1+$0x180] =	vst v10;
	s1 =	sadd.s32 $0x30, s0;
	v9 =	vld.idx.msk [tilespmem:v11+s15+$0x0], $0xffff;
	v11 =	vadd.s32 $0x140, v4  }
0x38: {  	s5 =	sadd.s32 $0x10, s0;
	s26 =	sand.u32 $0xFC00, s18;
	s23 =	sor.u32 $0x200, s1;
	v14 =	vld.idx.msk [tilespmem:v2+s15+$0x0], $0xffff  }
0x39: {  	s24 =	sor.u32 $0x200, s5;
	v19 =	vadd.s32 $0x40, v2;
	s31 =	sadd.s32 $0x2200, s26;
	v10 =	vld.idx.msk [tilespmem:v12+s15+$0x0], $0xffff;
	[tilespmem:s23+$0x2200] =	vst v6  }
0x3a: {  	s2 =	sadd.s32 $0x20, s0;
	s28 =	sor.u32 s19, s31;
	v6 =	vadd.s32 $0x140, v3;
	[tilespmem:s24+$0x2200] =	vst v8;
	v8 =	vld.idx.msk [tilespmem:v16+s15+$0x0], $0xffff  }
0x3b: {  	v13 =	vadd.s32 $0x140, v0;
	s20 =	sor.u32 $0x200, s2;
	[tilespmem:s28+$0x0] =	vst v17;
	v7 =	vld.idx.msk [tilespmem:v7+s15+$0x0], $0xffff  }
0x3c: {  	s30 =	sor.u32 s14, s31;
	[tilespmem:s20+$0x2200] =	vst v9;
	v9 =	vld.idx.msk [tilespmem:v11+s15+$0x0], $0xffff;
	v11 =	vadd.s32 $0x40, v16  }
0x3d: {  	s25 =	sor.u32 $0x200, s0;
	v18 =	vadd.s32 $0x180, v5;
	v12 =	vld.idx.msk [tilespmem:v1+s15+$0x0], $0xffff;
	[tilespmem:s30+$0x0] =	vst v14  }
0x3e: {  	v20 =	vadd.s32 $0x40, v15;
	s26 =	sor.u32 s21, s31;
	v17 =	vld.idx.msk [tilespmem:v19+s15+$0x0], $0xffff;
	[tilespmem:s25+$0x2200] =	vst v10  }
0x3f: {  	s6 =	sor.u32 $0x280, s1;
	v10 =	vadd.s32 $0x40, v1;
	v6 =	vld.idx.msk [tilespmem:v6+s15+$0x0], $0xffff;
	[tilespmem:s26+$0x0] =	vst v8  }
0x40: {  	v21 =	vld.idx.msk [tilespmem:v13+s15+$0x0], $0xffff;
	[tilespmem:s6+$0x2200] =	vst v7;
	v7 =	vadd.s32 $0x180, v4  }
0x41: {  	s23 =	sor.u32 s13, s31;
	v14 =	vadd.s32 $0x180, v3;
	v8 =	vld.idx.msk [tilespmem:v11+s15+$0x0], $0xffff  }
0x42: {  	s21 =	sor.u32 $0x280, s5;
	[tilespmem:s23+$0x0] =	vst v12;
	v11 =	vadd.s32 $0x80, v2;
	v13 =	vld.idx.msk [tilespmem:v18+s15+$0x0], $0xffff  }
0x43: {  	v5 =	vadd.s32 $0x1C0, v5;
	[tilespmem:s21+$0x2200] =	vst v9;
	v18 =	vld.idx.msk [tilespmem:v20+s15+$0x0], $0xffff  }
0x44: {  	s22 =	sor.u32 $0x280, s2;
	v19 =	vadd.s32 $0x80, v16;
	[tilespmem:s30+$0x80] =	vst v17;
	v10 =	vld.idx.msk [tilespmem:v10+s15+$0x0], $0xffff  }
0x45: {  	v12 =	vadd.s32 $0x80, v15;
	s25 =	sor.u32 $0x280, s0;
	[tilespmem:s22+$0x2200] =	vst v6;
	v22 =	vld.idx.msk [tilespmem:v7+s15+$0x0], $0xffff  }
0x46: {  	v23 =	vadd.s32 $0x180, v0;
	s24 =	sor.u32 $0x300, s1;
	[tilespmem:s25+$0x2200] =	vst v21;
	v14 =	vld.idx.msk [tilespmem:v14+s15+$0x0], $0xffff  }
0x47: {  	v6 =	vadd.s32 $0x80, v1;
	v17 =	vld.idx.msk [tilespmem:v11+s15+$0x0], $0xffff;
	[tilespmem:s24+$0x2200] =	vst v13  }
0x48: {  	v25 =	vadd.s32 $0x1C0, v4;
	[tilespmem:s26+$0x80] =	vst v8;
	v24 =	vld.idx.msk [tilespmem:v5+s15+$0x0], $0xffff  }
0x49: {  	s31 =	sor.u32 $0x300, s5;
	v3 =	vadd.s32 $0x1C0, v3;
	[tilespmem:s28+$0x80] =	vst v18;
	v19 =	vld.idx.msk [tilespmem:v19+s15+$0x0], $0xffff  }
0x4a: {  	v9 =	vadd.s32 $0x100, v15;
	v4 =	vadd.s32 $0x1C0, v15;
	v18 =	vld.idx.msk [tilespmem:v12+s15+$0x0], $0xffff;
	[tilespmem:s31+$0x2200] =	vst v22;
	v22 =	vadd.s32 $0xC0, v2  }
0x4b: {  	s29 =	sor.u32 $0x300, s2;
	s19 =	sor.u32 $0x380, s0;
	v7 =	vadd.s32 $0x140, v15;
	v12 =	vadd.s32 $0xC0, v15;
	v5 =	vadd.s32 $0x180, v15;
	v15 =	vld.idx.msk [tilespmem:v23+s15+$0x0], $0xffff;
	[tilespmem:s23+$0x80] =	vst v10  }
0x4c: {  	s1 =	sor.u32 $0x380, s1;
	s20 =	sor.u32 $0x380, s2;
	s21 =	simm.s32 $0x4;
	v21 =	vadd.s32 $0xC0, v1;
	v8 =	vadd.s32 $0x140, v16;
	v13 =	vadd.s32 $0xC0, v16;
	v20 =	vld.idx.msk [tilespmem:v6+s15+$0x0], $0xffff  }
0x4d: {  	s22 =	sor.u32 $0x380, s5;
	s25 =	simm.s32 $0x80;
	v11 =	vadd.s32 $0x1C0, v16;
	s24 =	sor.u32 $0x300, s0;
	v10 =	vadd.s32 $0x100, v16;
	v6 =	vadd.s32 $0x180, v16;
	v16 =	vld.idx.msk [tilespmem:v25+s15+$0x0], $0xffff;
	[tilespmem:s1+$0x2200] =	vst v24  }
.LBB2_2:
0x4e: {  	v23 =	vld [tilespmem:s25+$0x0];
	[tilespmem:s30+$0x100] =	vst v17  }
0x4f: {  	[tilespmem:s28+$0x100] =	vst v18;
	v17 =	vld.idx.msk [tilespmem:v22+s15+$0x0], $0xffff;
	v18 =	vadd.s32 $0x1C0, v0;
	v0 =	vmov v1  }
0x50: {  	v12 =	vld.idx.msk [tilespmem:v12+s15+$0x0], $0xffff;
	[tilespmem:s26+$0x100] =	vst v19  }
0x51: {  	s17 =	sadd.s32 $0x40, s17;
	v19 =	vadd.s32 $0x100, v2;
	[tilespmem:s23+$0x100] =	vst v20;
	v13 =	vld.idx.msk [tilespmem:v13+s15+$0x0], $0xffff  }
0x52: {  	s0 =	sand.u32 $0x40, s17;
	v20 =	vld.idx.msk [tilespmem:v21+s15+$0x0], $0xffff;
	[tilespmem:s29+$0x2200] =	vst v14  }
0x53: {  	s21 =	sadd.s32 $0x4, s21;
	s4 =	sand.u32 $0x1F80, s17;
	s1 =	sor.u32 $0x30, s0;
	[tilespmem:s24+$0x2200] =	vst v15;
	v14 =	vld.idx.msk [tilespmem:v3+s15+$0x0], $0xffff;
	v1 =	vmov v23;
	v3 =	vmov v11  }
0x54: {  	p1 =	slt.u32 s21, $0x1FC;
	s2 =	sor.u32 $0x10, s0;
	s13 =	sor.u32 s1, s4;
	v11 =	vld.idx.msk [tilespmem:v18+s15+$0x0], $0xffff;
	[tilespmem:s22+$0x2200] =	vst v16  }
0x55: {  	s5 =	sor.u32 $0x20, s0;
	s14 =	sor.u32 s2, s4;
	v15 =	vld [tilespmem:s13+$0x0];
	[tilespmem:s30+$0x180] =	vst v17  }
0x56: {  	p0 =	por !p0, !p0;
	s4 =	sor.u32 s5, s4;
	v16 =	vadd.s32 $0x100, v0;
	s13 =	simm.s32 $0x1;
	[tilespmem:s28+$0x180] =	vst v12;
	v17 =	vld.idx.msk [tilespmem:v19+s15+$0x0], $0xffff  }
0x57: {  	s13 =	simm.s32 @!p0 $0x0;
	v18 =	vld [tilespmem:s14+$0x0];
	[tilespmem:s26+$0x180] =	vst v13  }
0x58: {  	v19 =	vld [tilespmem:s4+$0x0];
	s4 =	sshll.u32 s13, $0x6;
	[tilespmem:s23+$0x180] =	vst v20;
	v20 =	vadd.s32 $0x140, v2  }
0x59: {  	s23 =	sadd.s32 s4, s18;
	v21 =	vld.idx.msk [tilespmem:v9+s15+$0x0], $0xffff;
	[tilespmem:s20+$0x2200] =	vst v14  }
0x5a: {  	s20 =	sadd.s32 $0x10, s23;
	v14 =	vld.idx.msk [tilespmem:v10+s15+$0x0], $0xffff;
	s26 =	sadd.s32 $0x20, s23;
	s31 =	sadd.s32 $0x30, s23;
	[tilespmem:s19+$0x2200] =	vst v11  }
0x5b: {  	v22 =	vadd.s32 $0x140, v0;
	v16 =	vld.idx.msk [tilespmem:v16+s15+$0x0], $0xffff;
	s28 =	sor.u32 $0x200, s20;
	s30 =	sor.u32 $0x200, s26;
	s13 =	sor.u32 $0x200, s31  }
0x5c: {  	s6 =	sor.u32 $0x200, s23;
	s4 =	sor.u32 $0x280, s20;
	s14 =	sor.u32 $0x280, s26;
	v23 =	vld.idx.msk [tilespmem:v23+s15+$0x0], $0xffff;
	v24 =	vadd.s32 $0x40, v18;
	v25 =	vadd.s32 $0x80, v18;
	v12 =	vadd.s32 $0xC0, v18;
	[tilespmem:s13+$0x2200] =	vst v17  }
0x5d: {  	s16 =	sor.u32 $0x280, s23;
	s29 =	sor.u32 $0x300, s26;
	s13 =	sor.u32 $0x300, s20;
	v17 =	vadd.s32 $0x40, v19;
	v26 =	vadd.s32 $0x80, v19;
	v13 =	vadd.s32 $0xC0, v19;
	v20 =	vld.idx.msk [tilespmem:v20+s15+$0x0], $0xffff  }
0x5e: {  	s24 =	sor.u32 $0x300, s23;
	s22 =	sor.u32 $0x380, s20;
	v9 =	vadd.s32 $0x100, v18;
	v27 =	vadd.s32 $0x140, v18;
	s20 =	sor.u32 $0x380, s26;
	v10 =	vadd.s32 $0x100, v19;
	v28 =	vld.idx.msk [tilespmem:v15+s15+$0x0], $0xffff  }
0x5f: {  	s19 =	sor.u32 $0x380, s23;
	v30 =	vadd.s32 $0x180, v18;
	v31 =	vadd.s32 $0x140, v19;
	v29 =	vld.idx.msk [tilespmem:v18+s15+$0x0], $0xffff;
	[tilespmem:s28+$0x2200] =	vst v21;
	v21 =	vadd.s32 $0x180, v2  }
0x60: {  	s18 =	sadd.s32 $0x200, s18;
	v34 =	vadd.s32 $0x40, v15;
	v32 =	vadd.s32 $0x1C0, v18;
	v33 =	vadd.s32 $0x180, v19;
	v18 =	vld.idx.msk [tilespmem:v19+s15+$0x0], $0xffff;
	[tilespmem:s30+$0x2200] =	vst v14  }
0x61: {  	s23 =	sand.u32 $0xFC00, s18;
	v11 =	vadd.s32 $0x1C0, v19;
	[tilespmem:s6+$0x2200] =	vst v16;
	v14 =	vld.idx.msk [tilespmem:v7+s15+$0x0], $0xffff;
	v7 =	vmov v27  }
0x62: {  	s26 =	sor.u32 $0x280, s31;
	s6 =	sadd.s32 $0x2200, s23;
	v16 =	vld.idx.msk [tilespmem:v8+s15+$0x0], $0xffff;
	v8 =	vmov v31  }
0x63: {  	v19 =	vadd.s32 $0x40, v1;
	s23 =	sor.u32 s0, s6;
	s28 =	sor.u32 s2, s6;
	s30 =	sor.u32 s1, s6;
	v27 =	vld.idx.msk [tilespmem:v22+s15+$0x0], $0xffff;
	[tilespmem:s26+$0x2200] =	vst v20  }
0x64: {  	s26 =	sor.u32 s5, s6;
	[tilespmem:s30+$0x0] =	vst v28;
	v20 =	vld.idx.msk [tilespmem:v21+s15+$0x0], $0xffff  }
0x65: {  	[tilespmem:s28+$0x0] =	vst v29;
	v21 =	vld.idx.msk [tilespmem:v34+s15+$0x0], $0xffff  }
0x66: {  	v22 =	vld.idx.msk [tilespmem:v24+s15+$0x0], $0xffff;
	[tilespmem:s26+$0x0] =	vst v18;
	v18 =	vadd.s32 $0x1C0, v2;
	v2 =	vmov v15  }
0x67: {  	[tilespmem:s23+$0x0] =	vst v23;
	v15 =	vld.idx.msk [tilespmem:v17+s15+$0x0], $0xffff;
	v17 =	vadd.s32 $0x80, v2  }
0x68: {  	v19 =	vld.idx.msk [tilespmem:v19+s15+$0x0], $0xffff;
	[tilespmem:s4+$0x2200] =	vst v14  }
0x69: {  	s0 =	sor.u32 $0x300, s31;
	v23 =	vld.idx.msk [tilespmem:v5+s15+$0x0], $0xffff;
	[tilespmem:s14+$0x2200] =	vst v16;
	v5 =	vmov v30  }
0x6a: {  	v16 =	vadd.s32 $0x80, v1;
	v14 =	vld.idx.msk [tilespmem:v6+s15+$0x0], $0xffff;
	[tilespmem:s0+$0x2200] =	vst v20;
	v6 =	vmov v33  }
0x6b: {  	[tilespmem:s30+$0x80] =	vst v21;
	v21 =	vadd.s32 $0x180, v0;
	v24 =	vld.idx.msk [tilespmem:v18+s15+$0x0], $0xffff  }
0x6c: {  	[tilespmem:s28+$0x80] =	vst v22;
	v17 =	vld.idx.msk [tilespmem:v17+s15+$0x0], $0xffff  }
.Ltmp0:
0x6d: {  	v18 =	vld.idx.msk [tilespmem:v25+s15+$0x0], $0xffff;
	[tilespmem:s26+$0x80] =	vst v15;
	(pc) =	sbr.rel @p1 .LBB2_2-.Ltmp0, $4  }
0x6e: {  	v22 =	vadd.s32 $0xC0, v2;
	[tilespmem:s23+$0x80] =	vst v19;
	v19 =	vld.idx.msk [tilespmem:v26+s15+$0x0], $0xffff  }
0x6f: {  	v20 =	vld.idx.msk [tilespmem:v16+s15+$0x0], $0xffff;
	[tilespmem:s16+$0x2200] =	vst v27  }
0x70: {  	s0 =	sor.u32 $0x380, s31;
	v15 =	vld.idx.msk [tilespmem:v21+s15+$0x0], $0xffff;
	[tilespmem:s13+$0x2200] =	vst v23  }
0x71: {  	s25 =	sadd.s32 $0x40, s25;
	v21 =	vadd.s32 $0xC0, v1;
	v16 =	vld.idx.msk [tilespmem:v4+s15+$0x0], $0xffff;
	[tilespmem:s0+$0x2200] =	vst v24;
	v4 =	vmov v32  }
0x72: {  	_ =	sdelay $0x2  }
0x73: {  	[tilespmem:s30+$0x100] =	vst v17  }
0x74: {  	[tilespmem:s28+$0x100] =	vst v18;
	v17 =	vld.idx.msk [tilespmem:v22+s15+$0x0], $0xffff  }
0x75: {  	v50 =	vadd.s32 $0x100, v2;
	v12 =	vld.idx.msk [tilespmem:v12+s15+$0x0], $0xffff;
	[tilespmem:s26+$0x100] =	vst v19  }
0x76: {  	[tilespmem:s23+$0x100] =	vst v20;
	v13 =	vld.idx.msk [tilespmem:v13+s15+$0x0], $0xffff  }
0x77: {  	v51 =	vld.idx.msk [tilespmem:v21+s15+$0x0], $0xffff  }
0x78: {  	v52 =	vadd.s32 $0x100, v1  }
0x79: {  	p0 =	por !p0, !p0;
	s0 =	simm.s32 $0x1;
	[tilespmem:s30+$0x180] =	vst v17  }
0x7a: {  	s0 =	simm.s32 @!p0 $0x0;
	[tilespmem:s28+$0x180] =	vst v12;
	v53 =	vld.idx.msk [tilespmem:v50+s15+$0x0], $0xffff  }
0x7b: {  	v54 =	vadd.s32 $0x140, v2;
	s0 =	sshll.u32 s0, $0x6;
	[tilespmem:s26+$0x180] =	vst v13;
	v9 =	vld.idx.msk [tilespmem:v9+s15+$0x0], $0xffff  }
0x7c: {  	s0 =	sadd.s32 s0, s18;
	[tilespmem:s23+$0x180] =	vst v51;
	v10 =	vld.idx.msk [tilespmem:v10+s15+$0x0], $0xffff  }
0x7d: {  	s1 =	sadd.s32 $0x30, s0;
	v55 =	vld.idx.msk [tilespmem:v52+s15+$0x0], $0xffff  }
0x7e: {  	v56 =	vadd.s32 $0x140, v1;
	s2 =	sadd.s32 $0x10, s0;
	s4 =	sor.u32 $0x200, s1  }
0x7f: {  	s5 =	sadd.s32 $0x20, s0;
	s6 =	sor.u32 $0x200, s2;
	[tilespmem:s4+$0x2200] =	vst v53  }
0x80: {  	s14 =	sor.u32 $0x200, s5;
	[tilespmem:s6+$0x2200] =	vst v9;
	v12 =	vld.idx.msk [tilespmem:v54+s15+$0x0], $0xffff  }
0x81: {  	v57 =	vadd.s32 $0x180, v2;
	s16 =	sor.u32 $0x200, s0;
	[tilespmem:s14+$0x2200] =	vst v10;
	v7 =	vld.idx.msk [tilespmem:v7+s15+$0x0], $0xffff  }
0x82: {  	[tilespmem:s16+$0x2200] =	vst v55;
	v8 =	vld.idx.msk [tilespmem:v8+s15+$0x0], $0xffff  }
0x83: {  	v58 =	vld.idx.msk [tilespmem:v56+s15+$0x0], $0xffff  }
0x84: {  	[tilespmem:s29+$0x2200] =	vst v14;
	v59 =	vadd.s32 $0x180, v1;
	s17 =	sor.u32 $0x280, s1  }
0x85: {  	s18 =	sor.u32 $0x280, s2;
	[tilespmem:s17+$0x2200] =	vst v12  }
0x86: {  	v0 =	vadd.s32 $0x1C0, v0;
	s21 =	sor.u32 $0x280, s5;
	[tilespmem:s18+$0x2200] =	vst v7;
	v9 =	vld.idx.msk [tilespmem:v57+s15+$0x0], $0xffff  }
0x87: {  	v60 =	vadd.s32 $0x1C0, v2;
	s23 =	sor.u32 $0x280, s0;
	v5 =	vld.idx.msk [tilespmem:v5+s15+$0x0], $0xffff;
	[tilespmem:s21+$0x2200] =	vst v8  }
0x88: {  	v6 =	vld.idx.msk [tilespmem:v6+s15+$0x0], $0xffff;
	[tilespmem:s23+$0x2200] =	vst v58  }
0x89: {  	[tilespmem:s24+$0x2200] =	vst v15;
	v61 =	vld.idx.msk [tilespmem:v59+s15+$0x0], $0xffff  }
0x8a: {  	v62 =	vadd.s32 $0x1C0, v1;
	v3 =	vld.idx.msk [tilespmem:v3+s15+$0x0], $0xffff;
	[tilespmem:s22+$0x2200] =	vst v16;
	s25 =	sor.u32 $0x300, s1  }
0x8b: {  	v0 =	vld.idx.msk [tilespmem:v0+s15+$0x0], $0xffff;
	s26 =	sor.u32 $0x300, s2;
	[tilespmem:s25+$0x2200] =	vst v9  }
0x8c: {  	s28 =	sor.u32 $0x300, s5;
	[tilespmem:s26+$0x2200] =	vst v5;
	v2 =	vld.idx.msk [tilespmem:v60+s15+$0x0], $0xffff  }
0x8d: {  	s29 =	sor.u32 $0x300, s0;
	v4 =	vld.idx.msk [tilespmem:v4+s15+$0x0], $0xffff;
	[tilespmem:s28+$0x2200] =	vst v6  }
0x8e: {  	[tilespmem:s29+$0x2200] =	vst v61;
	v63 =	vld.idx.msk [tilespmem:v11+s15+$0x0], $0xffff  }
0x8f: {  	[tilespmem:s20+$0x2200] =	vst v3;
	v1 =	vld.idx.msk [tilespmem:v62+s15+$0x0], $0xffff  }
0x90: {  	s1 =	sor.u32 $0x380, s1;
	[tilespmem:s19+$0x2200] =	vst v0  }
0x91: {  	s2 =	sor.u32 $0x380, s2;
	[tilespmem:s1+$0x2200] =	vst v2  }
0x92: {  	s30 =	sor.u32 $0x380, s5;
	[tilespmem:s2+$0x2200] =	vst v4  }
0x93: {  	s31 =	sor.u32 $0x380, s0;
	[tilespmem:s30+$0x2200] =	vst v63  }
0x94: {  	[tilespmem:s31+$0x2200] =	vst v1  }
0x95: {  	s0 =	simm.s32 $0x2200;
	s5 =	rddreg [dreg:$0x3]  }
0x96: {  	s1 =	simm.s32 $0x80;
	s2 =	simm.s32 $0x2600;
	s4 =	sadd.s32 $0x0, s5  }
.LBB2_4:
0x97: {  	[hbm4b:s4+s3] =	stream.linear.scatter [tilespmem:s0], [sflag:$0x1], $0x80, $0x38;
	[tilespmem:$0x12200] =	vst v63  }
0x98: {  	s4 =	smov.u32 s1;
	s0 =	smov.u32 s2;
	p0 =	sne.s32 s1, $0x1F80  }
.Ltmp1:
0x99: {  	s1 =	sadd.s32 $0x80, s1;
	(pc) =	sbr.rel @p0 .LBB2_4-.Ltmp1, $2  }
0x9a: {  	_ =	sdelay $0x2  }
0x9b: {  	s2 =	sadd.s32 $0x400, s2;
	s4 =	sadd.s32 s4, s5  }
0x9c: {  	[hbm4b:s4+s3] =	stream.linear.scatter [tilespmem:s0], [sflag:$0x1], $0x80, $0x38;
	[tilespmem:$0x12200] =	vst v63  }
0x9d: {  	s13 =	simm.s32 $0x1  }
0x9e: {  	s0 =	simm.s32 $0x2280;
	_ =	swait.ge [sflag:s13], $0x2000  }
0x9f: {  	s1 =	simm.s32 $0x80;
	[sflag:s13] =	ssyncset.done $0x0;
	s6 =	rddreg [dreg:$0x5]  }
0xa0: {  	s2 =	simm.s32 $0x2680;
	[sflag:s13] =	ssyncadd.s32 $0xFFFFE000;
	s4 =	sadd.s32 $0x0, s6  }
.LBB2_6:
0xa1: {  	[hbm4b:s4+s3] =	stream.linear.scatter [tilespmem:s0], [sflag:$0x1], $0x80, $0x38;
	[tilespmem:$0x12200] =	vst v63  }
0xa2: {  	s4 =	smov.u32 s1;
	s0 =	smov.u32 s2;
	p0 =	sne.s32 s1, $0x1F80  }
.Ltmp2:
0xa3: {  	s1 =	sadd.s32 $0x80, s1;
	(pc) =	sbr.rel @p0 .LBB2_6-.Ltmp2, $2  }
0xa4: {  	_ =	sdelay $0x2  }
0xa5: {  	s2 =	sadd.s32 $0x400, s2;
	s4 =	sadd.s32 s4, s6  }
0xa6: {  	[hbm4b:s4+s3] =	stream.linear.scatter [tilespmem:s0], [sflag:$0x1], $0x80, $0x38;
	[tilespmem:$0x12200] =	vst v63  }
0xa7: {  	_ =	swait.ge [sflag:s13], $0x2000  }
0xa8: {  	s0 =	simm.s32 $0x2300;
	s1 =	simm.s32 $0x80;
	[sflag:s13] =	ssyncset.done $0x0  }
0xa9: {  	s4 =	sadd.s32 $0x0, s7;
	s2 =	simm.s32 $0x2700;
	[sflag:s13] =	ssyncadd.s32 $0xFFFFE000  }
.LBB2_8:
0xaa: {  	[hbm4b:s4+s3] =	stream.linear.scatter [tilespmem:s0], [sflag:$0x1], $0x80, $0x38;
	[tilespmem:$0x12200] =	vst v63  }
0xab: {  	s4 =	smov.u32 s1;
	s0 =	smov.u32 s2;
	p0 =	sne.s32 s1, $0x1F80  }
.Ltmp3:
0xac: {  	s1 =	sadd.s32 $0x80, s1;
	(pc) =	sbr.rel @p0 .LBB2_8-.Ltmp3, $2  }
0xad: {  	_ =	sdelay $0x2  }
0xae: {  	s2 =	sadd.s32 $0x400, s2;
	s4 =	sadd.s32 s4, s7  }
0xaf: {  	[hbm4b:s4+s3] =	stream.linear.scatter [tilespmem:s0], [sflag:$0x1], $0x80, $0x38;
	[tilespmem:$0x12200] =	vst v63  }
0xb0: {  	_ =	swait.ge [sflag:s13], $0x2000  }
0xb1: {  	s0 =	simm.s32 $0x2380;
	s1 =	simm.s32 $0x80;
	[sflag:s13] =	ssyncset.done $0x0  }
0xb2: {  	s4 =	sadd.s32 $0x0, s8;
	s2 =	simm.s32 $0x2780;
	[sflag:s13] =	ssyncadd.s32 $0xFFFFE000  }
.LBB2_10:
0xb3: {  	[hbm4b:s4+s3] =	stream.linear.scatter [tilespmem:s0], [sflag:$0x1], $0x80, $0x38;
	[tilespmem:$0x12200] =	vst v63  }
0xb4: {  	s4 =	smov.u32 s1;
	s0 =	smov.u32 s2;
	p0 =	sne.s32 s1, $0x1F80  }
.Ltmp4:
0xb5: {  	s1 =	sadd.s32 $0x80, s1;
	(pc) =	sbr.rel @p0 .LBB2_10-.Ltmp4, $2  }
0xb6: {  	_ =	sdelay $0x2  }
0xb7: {  	s2 =	sadd.s32 $0x400, s2;
	s4 =	sadd.s32 s4, s8  }
0xb8: {  	[hbm4b:s4+s3] =	stream.linear.scatter [tilespmem:s0], [sflag:$0x1], $0x80, $0x38;
	[tilespmem:$0x12200] =	vst v63  }
0xb9: {  	_ =	swait.ge [sflag:s13], $0x2000  }
0xba: {  	s0 =	simm.s32 $0x2400;
	s1 =	simm.s32 $0x80;
	[sflag:s13] =	ssyncset.done $0x0  }
0xbb: {  	s4 =	sadd.s32 $0x0, s9;
	s2 =	simm.s32 $0x2800;
	[sflag:s13] =	ssyncadd.s32 $0xFFFFE000  }
.LBB2_12:
0xbc: {  	[hbm4b:s4+s3] =	stream.linear.scatter [tilespmem:s0], [sflag:$0x1], $0x80, $0x38;
	[tilespmem:$0x12200] =	vst v63  }
0xbd: {  	s4 =	smov.u32 s1;
	s0 =	smov.u32 s2;
	p0 =	sne.s32 s1, $0x1F80  }
.Ltmp5:
0xbe: {  	s1 =	sadd.s32 $0x80, s1;
	(pc) =	sbr.rel @p0 .LBB2_12-.Ltmp5, $2  }
0xbf: {  	_ =	sdelay $0x2  }
0xc0: {  	s2 =	sadd.s32 $0x400, s2;
	s4 =	sadd.s32 s4, s9  }
0xc1: {  	[hbm4b:s4+s3] =	stream.linear.scatter [tilespmem:s0], [sflag:$0x1], $0x80, $0x38;
	[tilespmem:$0x12200] =	vst v63  }
0xc2: {  	_ =	swait.ge [sflag:s13], $0x2000  }
0xc3: {  	s0 =	simm.s32 $0x2480;
	s1 =	simm.s32 $0x80;
	[sflag:s13] =	ssyncset.done $0x0  }
0xc4: {  	s4 =	sadd.s32 $0x0, s10;
	s2 =	simm.s32 $0x2880;
	[sflag:s13] =	ssyncadd.s32 $0xFFFFE000  }
.LBB2_14:
0xc5: {  	[hbm4b:s4+s3] =	stream.linear.scatter [tilespmem:s0], [sflag:$0x1], $0x80, $0x38;
	[tilespmem:$0x12200] =	vst v63  }
0xc6: {  	s4 =	smov.u32 s1;
	s0 =	smov.u32 s2;
	p0 =	sne.s32 s1, $0x1F80  }
.Ltmp6:
0xc7: {  	s1 =	sadd.s32 $0x80, s1;
	(pc) =	sbr.rel @p0 .LBB2_14-.Ltmp6, $2  }
0xc8: {  	_ =	sdelay $0x2  }
0xc9: {  	s2 =	sadd.s32 $0x400, s2;
	s4 =	sadd.s32 s4, s10  }
0xca: {  	[hbm4b:s4+s3] =	stream.linear.scatter [tilespmem:s0], [sflag:$0x1], $0x80, $0x38;
	[tilespmem:$0x12200] =	vst v63  }
0xcb: {  	_ =	swait.ge [sflag:s13], $0x2000  }
0xcc: {  	s0 =	simm.s32 $0x2500;
	s1 =	simm.s32 $0x80;
	[sflag:s13] =	ssyncset.done $0x0  }
0xcd: {  	s4 =	sadd.s32 $0x0, s11;
	s2 =	simm.s32 $0x2900;
	[sflag:s13] =	ssyncadd.s32 $0xFFFFE000  }
.LBB2_16:
0xce: {  	[hbm4b:s4+s3] =	stream.linear.scatter [tilespmem:s0], [sflag:$0x1], $0x80, $0x38;
	[tilespmem:$0x12200] =	vst v63  }
0xcf: {  	s4 =	smov.u32 s1;
	s0 =	smov.u32 s2;
	p0 =	sne.s32 s1, $0x1F80  }
.Ltmp7:
0xd0: {  	s1 =	sadd.s32 $0x80, s1;
	(pc) =	sbr.rel @p0 .LBB2_16-.Ltmp7, $2  }
0xd1: {  	_ =	sdelay $0x2  }
0xd2: {  	s2 =	sadd.s32 $0x400, s2;
	s4 =	sadd.s32 s4, s11  }
0xd3: {  	[hbm4b:s4+s3] =	stream.linear.scatter [tilespmem:s0], [sflag:$0x1], $0x80, $0x38;
	[tilespmem:$0x12200] =	vst v63  }
0xd4: {  	_ =	swait.ge [sflag:s13], $0x2000  }
0xd5: {  	s0 =	simm.s32 $0x2580;
	s1 =	simm.s32 $0x80;
	[sflag:s13] =	ssyncset.done $0x0  }
0xd6: {  	s4 =	sadd.s32 $0x0, s12;
	s2 =	simm.s32 $0x2980;
	[sflag:s13] =	ssyncadd.s32 $0xFFFFE000  }
.LBB2_18:
0xd7: {  	[hbm4b:s4+s3] =	stream.linear.scatter [tilespmem:s0], [sflag:$0x1], $0x80, $0x38;
	[tilespmem:$0x12200] =	vst v63  }
0xd8: {  	s4 =	smov.u32 s1;
	s0 =	smov.u32 s2;
	p0 =	sne.s32 s1, $0x1F80  }
.Ltmp8:
0xd9: {  	s1 =	sadd.s32 $0x80, s1;
	(pc) =	sbr.rel @p0 .LBB2_18-.Ltmp8, $2  }
0xda: {  	_ =	sdelay $0x2  }
0xdb: {  	s2 =	sadd.s32 $0x400, s2;
	s4 =	sadd.s32 s4, s12  }
0xdc: {  	[hbm4b:s4+s3] =	stream.linear.scatter [tilespmem:s0], [sflag:$0x1], $0x80, $0x38;
	[tilespmem:$0x12200] =	vst v63  }
0xdd: {  	_ =	swait.ge [sflag:s13], $0x2000  }
0xde: {  	s1 =	rddreg [dreg:$0x7]  }
0xdf: {  	s31 =	rddreg [dreg:$0x6];
	s1 =	sadd.s32 $0x1, s1  }
0xe0: {  	p0 =	sne.s32 s1, s31  }
.Ltmp9:
0xe1: {  	_ = 	snop;
	(pc) =	sbr.rel @p0 .LBB2_1-.Ltmp9, $3  }
0xe2: {  	_ =	sdelay $0x1  }
0xe3: {  	[sflag:s13] =	ssyncset.done $0x0  }
0xe4: {  	[sflag:s13] =	ssyncadd.s32 $0xFFFFE000  }
0xe5: {  	_ =	sfence.sel $0x180000  }
0xe6: {  	[bflag:$0x0] =	sbarrier.arrive $0xFFFF  }
0xe7: {  	_ =	strace $0x90000047  }
0xe8: {  	s0 =	stileid.u32;
	[bflag:$0x2] =	sbarrier.arrive $0xFFFF  }
0xe9: {  	p0 =	sne.s32 s0, $0x0;
	s0 =	rddreg [dreg:$0x2]  }
0xea: {  	s0 =	sadd.s32 @!p0 $0x100000, s0  }
0xeb: {  	[sflag:s0] =	ssyncadd.tile.s32 @!p0 $0x1;
	_ =	shalt  }
.Lfunc_end2:
_tile_overlayer_lowered:
.L_overlay_start_2:
0xec: {  	(tag) =	ssettag $0x2  }
0xed: {  	s0 =	rddreg [dreg:$0x0];
	s2 =	stileid.u32  }
0xee: {  	s1 =	rddreg [dreg:$0x1];
	p0 =	sne.s32 s2, $0x0  }
0xef: {  	s3 =	rddreg [dreg:$0x2];
	[bflag:$0x3] =	sbarrier.arrive $0xFFFF;
	s2 =	simm.s32 @!p0 $0x1C01  }
0xf0: {  	[timem:s3], [sflag:s2] =	dma.local @!p0 [hbm:s0], s1  }
0xf1: {  	s0 =	simm.s32 @!p0 $0x1  }
0xf2: {  	_ =	swait.ge @!p0 [sflag:s0], s1  }
0xf3: {  	s1 =	ssub.s32 @!p0 $0x0, s1;
	[sflag:s0] =	ssyncset.done @!p0 $0x0  }
0xf4: {  	[sflag:s0] =	ssyncadd.s32 @!p0 s1  }
0xf5: {  	[bflag:$0x3] =	sbarrier.arrive $0xFFFF  }
0xf6: {  	_ =	shalt  }

</sc_bundles>
